<compile_context>
chip_gen: v7x
topology: tpu7x:2x2x1
jax: 0.10.2.dev20260603
libtpu: 0.0.44.dev20260713+nightly
codegen_flags: <defaults>
</compile_context>

<pallas_src>
import jax
import jax.numpy as jnp
from jax import lax
from jax.experimental import pallas as pl
from jax.experimental.pallas import tpu as pltpu
from jax.experimental.pallas import tpu_sc as plsc

NUM_VIEWS = 16
TOKEN_DIM = 256
BATCH = 16384
NUM_CORES = 2
NUM_SUBCORES = 16
NUM_WORKERS = NUM_CORES * NUM_SUBCORES
ROWS_PER_WORKER = BATCH // NUM_WORKERS
COPIES_PER_WORKER = 8
CHUNK = 64
NUM_CHUNKS = ROWS_PER_WORKER // CHUNK
NBUF = 7


def _gather_body(idx_hbm, table_hbm, out_hbm, idx_v, *bufs_and_sems):
    bufs = bufs_and_sems[:NBUF]
    gsems = bufs_and_sems[NBUF:NBUF + NUM_CHUNKS]
    wsems = bufs_and_sems[NBUF + NUM_CHUNKS:]
    wid = lax.axis_index("s") * NUM_CORES + lax.axis_index("c")
    base = wid * ROWS_PER_WORKER

    pltpu.sync_copy(idx_hbm.at[wid], idx_v)

    gathers = [None] * NUM_CHUNKS
    writes = [None] * NUM_CHUNKS

    def start_gather(j):
        gathers[j] = pltpu.async_copy(
            table_hbm.at[idx_v.at[j]], bufs[j % NBUF], gsems[j])

    for j in range(NBUF):
        start_gather(j)
    for j in range(NUM_CHUNKS):
        gathers[j].wait()
        writes[j] = pltpu.async_copy(
            bufs[j % NBUF], out_hbm.at[pl.ds(base + j * CHUNK, CHUNK)],
            wsems[j])
        nxt = j + NBUF
        if nxt < NUM_CHUNKS:
            writes[nxt - NBUF].wait()
            start_gather(nxt)
    for j in range(max(0, NUM_CHUNKS - NBUF), NUM_CHUNKS):
        writes[j].wait()


@jax.jit
def kernel(view_id, view_embed):
    idx = view_id.astype(jnp.int32).reshape(NUM_WORKERS, ROWS_PER_WORKER)
    table_rep = jnp.tile(view_embed, (NUM_WORKERS * COPIES_PER_WORKER, 1))
    copy_id = (jnp.arange(NUM_WORKERS, dtype=jnp.int32)[:, None]
               * COPIES_PER_WORKER
               + jnp.arange(ROWS_PER_WORKER, dtype=jnp.int32)[None, :]
               % COPIES_PER_WORKER)
    idx = (idx + copy_id * NUM_VIEWS).reshape(NUM_WORKERS, NUM_CHUNKS, CHUNK)
    run = pl.kernel(
        _gather_body,
        out_type=jax.ShapeDtypeStruct((BATCH, TOKEN_DIM), jnp.float32),
        mesh=plsc.VectorSubcoreMesh(core_axis_name="c", subcore_axis_name="s"),
        scratch_types=(
            [pltpu.VMEM((NUM_CHUNKS, CHUNK), jnp.int32)]
            + [pltpu.VMEM((CHUNK, TOKEN_DIM), jnp.float32)] * NBUF
            + [pltpu.SemaphoreType.DMA] * (2 * NUM_CHUNKS)
        ),
    )
    return run(idx, table_rep)

# --- scband reference (transcript-rebuilt; emitter-appended) ---
"""Pipeline reference for scband-view-point-embedding-55997783605639 (READ-ONLY COPY).

The authoritative reference and input builder live on the scoring server;
editing this copy changes nothing except your own understanding.
"""

import jax, jax.numpy as jnp
import numpy as np

NUM_VIEWS = 16
TOKEN_DIM = 256
BATCH = 16384

def setup_inputs(seed: int = 0) -> dict:
    key = jax.random.key(seed)
    k_idx, k_tab = jax.random.split(key)
    view_id = jax.random.randint(k_idx, (BATCH,), 0, NUM_VIEWS, dtype=jnp.int64 if jax.config.jax_enable_x64 else jnp.int32)
    # nn.Embedding default init: N(0, 1)
    view_embed = jax.random.normal(k_tab, (NUM_VIEWS, TOKEN_DIM), dtype=jnp.float32)
    return {"view_id": view_id, "view_embed": view_embed}

def reference(view_id, view_embed):
    # nn.Embedding forward: gather rows of the table by index
    return jnp.take(view_embed, view_id, axis=0)

if __name__ == "__main__":
    import jax
    _d = setup_inputs()
    print(jax.jit(kernel)(*tuple(_d.values())))

</pallas_src>

<mosaic_0001>
#map = affine_map<(d0, d1) -> (0, 0, 0)>
#map1 = affine_map<(d0, d1) -> (0, 0)>
module attributes {stable_mosaic.version = 14 : i64} {
  func.func @_gather_body(%arg0: i32, %arg1: i32, %arg2: memref<32x8x64xi32, #tpu.memory_space<hbm>>, %arg3: memref<4096x256xf32, #tpu.memory_space<hbm>>, %arg4: memref<16384x256xf32, #tpu.memory_space<hbm>>, %arg5: memref<8x64xi32, #tpu.memory_space<vmem>>, %arg6: memref<64x256xf32, #tpu.memory_space<vmem>>, %arg7: memref<64x256xf32, #tpu.memory_space<vmem>>, %arg8: memref<64x256xf32, #tpu.memory_space<vmem>>, %arg9: memref<64x256xf32, #tpu.memory_space<vmem>>, %arg10: memref<64x256xf32, #tpu.memory_space<vmem>>, %arg11: memref<64x256xf32, #tpu.memory_space<vmem>>, %arg12: memref<64x256xf32, #tpu.memory_space<vmem>>, %arg13: memref<!tpu.dma_semaphore, #tpu.memory_space<semaphore_mem>>, %arg14: memref<!tpu.dma_semaphore, #tpu.memory_space<semaphore_mem>>, %arg15: memref<!tpu.dma_semaphore, #tpu.memory_space<semaphore_mem>>, %arg16: memref<!tpu.dma_semaphore, #tpu.memory_space<semaphore_mem>>, %arg17: memref<!tpu.dma_semaphore, #tpu.memory_space<semaphore_mem>>, %arg18: memref<!tpu.dma_semaphore, #tpu.memory_space<semaphore_mem>>, %arg19: memref<!tpu.dma_semaphore, #tpu.memory_space<semaphore_mem>>, %arg20: memref<!tpu.dma_semaphore, #tpu.memory_space<semaphore_mem>>, %arg21: memref<!tpu.dma_semaphore, #tpu.memory_space<semaphore_mem>>, %arg22: memref<!tpu.dma_semaphore, #tpu.memory_space<semaphore_mem>>, %arg23: memref<!tpu.dma_semaphore, #tpu.memory_space<semaphore_mem>>, %arg24: memref<!tpu.dma_semaphore, #tpu.memory_space<semaphore_mem>>, %arg25: memref<!tpu.dma_semaphore, #tpu.memory_space<semaphore_mem>>, %arg26: memref<!tpu.dma_semaphore, #tpu.memory_space<semaphore_mem>>, %arg27: memref<!tpu.dma_semaphore, #tpu.memory_space<semaphore_mem>>, %arg28: memref<!tpu.dma_semaphore, #tpu.memory_space<semaphore_mem>>) attributes {dimension_semantics = [#tpu.dimension_semantics<core_parallel>, #tpu.dimension_semantics<subcore_parallel>], iteration_bounds = array<i64: 2, 16>, scalar_prefetch = 0 : i64, scratch_operands = 24 : i64, tpu.core_type = #tpu.core_type<sc_vector_subcore>, window_params = [{transform_indices = #map}, {transform_indices = #map1}, {transform_indices = #map1}]} {
    %mul3A = arith.constant 2 : i32
    %mul3A_0 = arith.muli %arg1, %mul3A : i32
    %add3A = arith.addi %mul3A_0, %arg0 : i32
    %mul3A_1 = arith.constant 512 : i32
    %mul3A_2 = arith.muli %add3A, %mul3A_1 : i32
    "tpu.region"() ({
      %run_scoped3A = tpu.sem_alloc : memref<!tpu.dma_semaphore, #tpu.memory_space<semaphore_mem>>
      %dma_start3A_193 = arith.constant 0 : i32
      %dma_start3A_194 = arith.constant 0 : i32
      %dma_start3A_195 = tpu.memref_slice %arg2[%add3A, %dma_start3A_193, %dma_start3A_194] : memref<32x8x64xi32, #tpu.memory_space<hbm>> -> memref<1x8x64xi32, #tpu.memory_space<hbm>>
      %dma_start3A_196 = tpu.memref_squeeze %dma_start3A_195 : memref<1x8x64xi32, #tpu.memory_space<hbm>> -> memref<8x64xi32, #tpu.memory_space<hbm>>
      %dma_start3A_197 = arith.constant 0 : i32
      %dma_start3A_198 = arith.constant 0 : i32
      %dma_start3A_199 = tpu.memref_slice %arg2[%add3A, %dma_start3A_197, %dma_start3A_198] : memref<32x8x64xi32, #tpu.memory_space<hbm>> -> memref<1x8x64xi32, #tpu.memory_space<hbm>>
      %dma_start3A_200 = tpu.memref_squeeze %dma_start3A_199 : memref<1x8x64xi32, #tpu.memory_space<hbm>> -> memref<8x64xi32, #tpu.memory_space<hbm>>
      tpu.enqueue_dma source(%dma_start3A_200 : memref<8x64xi32, #tpu.memory_space<hbm>>) target(%arg5 : memref<8x64xi32, #tpu.memory_space<vmem>>) target_semaphore(%run_scoped3A : memref<!tpu.dma_semaphore, #tpu.memory_space<semaphore_mem>>)
      %dma_wait3A_201 = arith.constant 0 : i32
      %dma_wait3A_202 = arith.constant 0 : i32
      %dma_wait3A_203 = tpu.memref_slice %arg2[%add3A, %dma_wait3A_201, %dma_wait3A_202] : memref<32x8x64xi32, #tpu.memory_space<hbm>> -> memref<1x8x64xi32, #tpu.memory_space<hbm>>
      %dma_wait3A_204 = tpu.memref_squeeze %dma_wait3A_203 : memref<1x8x64xi32, #tpu.memory_space<hbm>> -> memref<8x64xi32, #tpu.memory_space<hbm>>
      %dma_wait3A_205 = arith.constant 0 : i32
      %dma_wait3A_206 = arith.constant 0 : i32
      %dma_wait3A_207 = tpu.memref_slice %arg2[%add3A, %dma_wait3A_205, %dma_wait3A_206] : memref<32x8x64xi32, #tpu.memory_space<hbm>> -> memref<1x8x64xi32, #tpu.memory_space<hbm>>
      %dma_wait3A_208 = tpu.memref_squeeze %dma_wait3A_207 : memref<1x8x64xi32, #tpu.memory_space<hbm>> -> memref<8x64xi32, #tpu.memory_space<hbm>>
      tpu.wait_dma2 semaphore(%run_scoped3A : memref<!tpu.dma_semaphore, #tpu.memory_space<semaphore_mem>>) src(%dma_wait3A_208 : memref<8x64xi32, #tpu.memory_space<hbm>>) dst(%arg5 : memref<8x64xi32, #tpu.memory_space<vmem>>)
      tpu.yield
    }) : () -> ()
    %dma_start3A = arith.constant 0 : i32
    %dma_start3A_3 = arith.constant 0 : i32
    %dma_start3A_4 = tpu.memref_slice %arg5[%dma_start3A, %dma_start3A_3] : memref<8x64xi32, #tpu.memory_space<vmem>> -> memref<1x64xi32, #tpu.memory_space<vmem>>
    %dma_start3A_5 = tpu.memref_squeeze %dma_start3A_4 : memref<1x64xi32, #tpu.memory_space<vmem>> -> memref<64xi32, #tpu.memory_space<vmem>>
    %dma_start3A_6 = arith.constant 0 : i32
    %dma_start3A_7 = arith.constant 0 : i32
    %dma_start3A_8 = tpu.memref_slice %arg3[%dma_start3A_6, %dma_start3A_7] : memref<4096x256xf32, #tpu.memory_space<hbm>> -> memref<4096x256xf32, #tpu.memory_space<hbm>>
    tpu.enqueue_indirect_dma source(%dma_start3A_8 : memref<4096x256xf32, #tpu.memory_space<hbm>>) target(%arg6 : memref<64x256xf32, #tpu.memory_space<vmem>>) offsets(%dma_start3A_5 : memref<64xi32, #tpu.memory_space<vmem>>) semaphore(%arg13 : memref<!tpu.dma_semaphore, #tpu.memory_space<semaphore_mem>>)
    %dma_start3A_9 = arith.constant 1 : i32
    %dma_start3A_10 = arith.constant 0 : i32
    %dma_start3A_11 = tpu.memref_slice %arg5[%dma_start3A_9, %dma_start3A_10] : memref<8x64xi32, #tpu.memory_space<vmem>> -> memref<1x64xi32, #tpu.memory_space<vmem>>
    %dma_start3A_12 = tpu.memref_squeeze %dma_start3A_11 : memref<1x64xi32, #tpu.memory_space<vmem>> -> memref<64xi32, #tpu.memory_space<vmem>>
    %dma_start3A_13 = arith.constant 0 : i32
    %dma_start3A_14 = arith.constant 0 : i32
    %dma_start3A_15 = tpu.memref_slice %arg3[%dma_start3A_13, %dma_start3A_14] : memref<4096x256xf32, #tpu.memory_space<hbm>> -> memref<4096x256xf32, #tpu.memory_space<hbm>>
    tpu.enqueue_indirect_dma source(%dma_start3A_15 : memref<4096x256xf32, #tpu.memory_space<hbm>>) target(%arg7 : memref<64x256xf32, #tpu.memory_space<vmem>>) offsets(%dma_start3A_12 : memref<64xi32, #tpu.memory_space<vmem>>) semaphore(%arg14 : memref<!tpu.dma_semaphore, #tpu.memory_space<semaphore_mem>>)
    %dma_start3A_16 = arith.constant 2 : i32
    %dma_start3A_17 = arith.constant 0 : i32
    %dma_start3A_18 = tpu.memref_slice %arg5[%dma_start3A_16, %dma_start3A_17] : memref<8x64xi32, #tpu.memory_space<vmem>> -> memref<1x64xi32, #tpu.memory_space<vmem>>
    %dma_start3A_19 = tpu.memref_squeeze %dma_start3A_18 : memref<1x64xi32, #tpu.memory_space<vmem>> -> memref<64xi32, #tpu.memory_space<vmem>>
    %dma_start3A_20 = arith.constant 0 : i32
    %dma_start3A_21 = arith.constant 0 : i32
    %dma_start3A_22 = tpu.memref_slice %arg3[%dma_start3A_20, %dma_start3A_21] : memref<4096x256xf32, #tpu.memory_space<hbm>> -> memref<4096x256xf32, #tpu.memory_space<hbm>>
    tpu.enqueue_indirect_dma source(%dma_start3A_22 : memref<4096x256xf32, #tpu.memory_space<hbm>>) target(%arg8 : memref<64x256xf32, #tpu.memory_space<vmem>>) offsets(%dma_start3A_19 : memref<64xi32, #tpu.memory_space<vmem>>) semaphore(%arg15 : memref<!tpu.dma_semaphore, #tpu.memory_space<semaphore_mem>>)
    %dma_start3A_23 = arith.constant 3 : i32
    %dma_start3A_24 = arith.constant 0 : i32
    %dma_start3A_25 = tpu.memref_slice %arg5[%dma_start3A_23, %dma_start3A_24] : memref<8x64xi32, #tpu.memory_space<vmem>> -> memref<1x64xi32, #tpu.memory_space<vmem>>
    %dma_start3A_26 = tpu.memref_squeeze %dma_start3A_25 : memref<1x64xi32, #tpu.memory_space<vmem>> -> memref<64xi32, #tpu.memory_space<vmem>>
    %dma_start3A_27 = arith.constant 0 : i32
    %dma_start3A_28 = arith.constant 0 : i32
    %dma_start3A_29 = tpu.memref_slice %arg3[%dma_start3A_27, %dma_start3A_28] : memref<4096x256xf32, #tpu.memory_space<hbm>> -> memref<4096x256xf32, #tpu.memory_space<hbm>>
    tpu.enqueue_indirect_dma source(%dma_start3A_29 : memref<4096x256xf32, #tpu.memory_space<hbm>>) target(%arg9 : memref<64x256xf32, #tpu.memory_space<vmem>>) offsets(%dma_start3A_26 : memref<64xi32, #tpu.memory_space<vmem>>) semaphore(%arg16 : memref<!tpu.dma_semaphore, #tpu.memory_space<semaphore_mem>>)
    %dma_start3A_30 = arith.constant 4 : i32
    %dma_start3A_31 = arith.constant 0 : i32
    %dma_start3A_32 = tpu.memref_slice %arg5[%dma_start3A_30, %dma_start3A_31] : memref<8x64xi32, #tpu.memory_space<vmem>> -> memref<1x64xi32, #tpu.memory_space<vmem>>
    %dma_start3A_33 = tpu.memref_squeeze %dma_start3A_32 : memref<1x64xi32, #tpu.memory_space<vmem>> -> memref<64xi32, #tpu.memory_space<vmem>>
    %dma_start3A_34 = arith.constant 0 : i32
    %dma_start3A_35 = arith.constant 0 : i32
    %dma_start3A_36 = tpu.memref_slice %arg3[%dma_start3A_34, %dma_start3A_35] : memref<4096x256xf32, #tpu.memory_space<hbm>> -> memref<4096x256xf32, #tpu.memory_space<hbm>>
    tpu.enqueue_indirect_dma source(%dma_start3A_36 : memref<4096x256xf32, #tpu.memory_space<hbm>>) target(%arg10 : memref<64x256xf32, #tpu.memory_space<vmem>>) offsets(%dma_start3A_33 : memref<64xi32, #tpu.memory_space<vmem>>) semaphore(%arg17 : memref<!tpu.dma_semaphore, #tpu.memory_space<semaphore_mem>>)
    %dma_start3A_37 = arith.constant 5 : i32
    %dma_start3A_38 = arith.constant 0 : i32
    %dma_start3A_39 = tpu.memref_slice %arg5[%dma_start3A_37, %dma_start3A_38] : memref<8x64xi32, #tpu.memory_space<vmem>> -> memref<1x64xi32, #tpu.memory_space<vmem>>
    %dma_start3A_40 = tpu.memref_squeeze %dma_start3A_39 : memref<1x64xi32, #tpu.memory_space<vmem>> -> memref<64xi32, #tpu.memory_space<vmem>>
    %dma_start3A_41 = arith.constant 0 : i32
    %dma_start3A_42 = arith.constant 0 : i32
    %dma_start3A_43 = tpu.memref_slice %arg3[%dma_start3A_41, %dma_start3A_42] : memref<4096x256xf32, #tpu.memory_space<hbm>> -> memref<4096x256xf32, #tpu.memory_space<hbm>>
    tpu.enqueue_indirect_dma source(%dma_start3A_43 : memref<4096x256xf32, #tpu.memory_space<hbm>>) target(%arg11 : memref<64x256xf32, #tpu.memory_space<vmem>>) offsets(%dma_start3A_40 : memref<64xi32, #tpu.memory_space<vmem>>) semaphore(%arg18 : memref<!tpu.dma_semaphore, #tpu.memory_space<semaphore_mem>>)
    %dma_start3A_44 = arith.constant 6 : i32
    %dma_start3A_45 = arith.constant 0 : i32
    %dma_start3A_46 = tpu.memref_slice %arg5[%dma_start3A_44, %dma_start3A_45] : memref<8x64xi32, #tpu.memory_space<vmem>> -> memref<1x64xi32, #tpu.memory_space<vmem>>
    %dma_start3A_47 = tpu.memref_squeeze %dma_start3A_46 : memref<1x64xi32, #tpu.memory_space<vmem>> -> memref<64xi32, #tpu.memory_space<vmem>>
    %dma_start3A_48 = arith.constant 0 : i32
    %dma_start3A_49 = arith.constant 0 : i32
    %dma_start3A_50 = tpu.memref_slice %arg3[%dma_start3A_48, %dma_start3A_49] : memref<4096x256xf32, #tpu.memory_space<hbm>> -> memref<4096x256xf32, #tpu.memory_space<hbm>>
    tpu.enqueue_indirect_dma source(%dma_start3A_50 : memref<4096x256xf32, #tpu.memory_space<hbm>>) target(%arg12 : memref<64x256xf32, #tpu.memory_space<vmem>>) offsets(%dma_start3A_47 : memref<64xi32, #tpu.memory_space<vmem>>) semaphore(%arg19 : memref<!tpu.dma_semaphore, #tpu.memory_space<semaphore_mem>>)
    %dma_wait3A = arith.constant 0 : i32
    %dma_wait3A_51 = arith.constant 0 : i32
    %dma_wait3A_52 = tpu.memref_slice %arg5[%dma_wait3A, %dma_wait3A_51] : memref<8x64xi32, #tpu.memory_space<vmem>> -> memref<1x64xi32, #tpu.memory_space<vmem>>
    %dma_wait3A_53 = tpu.memref_squeeze %dma_wait3A_52 : memref<1x64xi32, #tpu.memory_space<vmem>> -> memref<64xi32, #tpu.memory_space<vmem>>
    %dma_wait3A_54 = arith.constant 0 : i32
    %dma_wait3A_55 = arith.constant 0 : i32
    %dma_wait3A_56 = tpu.memref_slice %arg3[%dma_wait3A_54, %dma_wait3A_55] : memref<4096x256xf32, #tpu.memory_space<hbm>> -> memref<4096x256xf32, #tpu.memory_space<hbm>>
    tpu.wait_indirect_dma semaphore(%arg13 : memref<!tpu.dma_semaphore, #tpu.memory_space<semaphore_mem>>) src(%dma_wait3A_56 : memref<4096x256xf32, #tpu.memory_space<hbm>>) dst(%arg6 : memref<64x256xf32, #tpu.memory_space<vmem>>)
    %add3A_57 = arith.constant 0 : i32
    %add3A_58 = arith.addi %mul3A_2, %add3A_57 : i32
    %dma_start3A_59 = arith.constant 0 : i32
    %dma_start3A_60 = tpu.memref_slice %arg4[%add3A_58, %dma_start3A_59] : memref<16384x256xf32, #tpu.memory_space<hbm>> -> memref<64x256xf32, #tpu.memory_space<hbm>>
    %dma_start3A_61 = arith.constant 0 : i32
    %dma_start3A_62 = tpu.memref_slice %arg4[%add3A_58, %dma_start3A_61] : memref<16384x256xf32, #tpu.memory_space<hbm>> -> memref<64x256xf32, #tpu.memory_space<hbm>>
    tpu.enqueue_dma source(%arg6 : memref<64x256xf32, #tpu.memory_space<vmem>>) target(%dma_start3A_62 : memref<64x256xf32, #tpu.memory_space<hbm>>) target_semaphore(%arg21 : memref<!tpu.dma_semaphore, #tpu.memory_space<semaphore_mem>>)
    %dma_wait3A_63 = arith.constant 0 : i32
    %dma_wait3A_64 = tpu.memref_slice %arg4[%add3A_58, %dma_wait3A_63] : memref<16384x256xf32, #tpu.memory_space<hbm>> -> memref<64x256xf32, #tpu.memory_space<hbm>>
    %dma_wait3A_65 = arith.constant 0 : i32
    %dma_wait3A_66 = tpu.memref_slice %arg4[%add3A_58, %dma_wait3A_65] : memref<16384x256xf32, #tpu.memory_space<hbm>> -> memref<64x256xf32, #tpu.memory_space<hbm>>
    tpu.wait_dma2 semaphore(%arg21 : memref<!tpu.dma_semaphore, #tpu.memory_space<semaphore_mem>>) src(%arg6 : memref<64x256xf32, #tpu.memory_space<vmem>>) dst(%dma_wait3A_66 : memref<64x256xf32, #tpu.memory_space<hbm>>)
    %dma_start3A_67 = arith.constant 7 : i32
    %dma_start3A_68 = arith.constant 0 : i32
    %dma_start3A_69 = tpu.memref_slice %arg5[%dma_start3A_67, %dma_start3A_68] : memref<8x64xi32, #tpu.memory_space<vmem>> -> memref<1x64xi32, #tpu.memory_space<vmem>>
    %dma_start3A_70 = tpu.memref_squeeze %dma_start3A_69 : memref<1x64xi32, #tpu.memory_space<vmem>> -> memref<64xi32, #tpu.memory_space<vmem>>
    %dma_start3A_71 = arith.constant 0 : i32
    %dma_start3A_72 = arith.constant 0 : i32
    %dma_start3A_73 = tpu.memref_slice %arg3[%dma_start3A_71, %dma_start3A_72] : memref<4096x256xf32, #tpu.memory_space<hbm>> -> memref<4096x256xf32, #tpu.memory_space<hbm>>
    tpu.enqueue_indirect_dma source(%dma_start3A_73 : memref<4096x256xf32, #tpu.memory_space<hbm>>) target(%arg6 : memref<64x256xf32, #tpu.memory_space<vmem>>) offsets(%dma_start3A_70 : memref<64xi32, #tpu.memory_space<vmem>>) semaphore(%arg20 : memref<!tpu.dma_semaphore, #tpu.memory_space<semaphore_mem>>)
    %dma_wait3A_74 = arith.constant 1 : i32
    %dma_wait3A_75 = arith.constant 0 : i32
    %dma_wait3A_76 = tpu.memref_slice %arg5[%dma_wait3A_74, %dma_wait3A_75] : memref<8x64xi32, #tpu.memory_space<vmem>> -> memref<1x64xi32, #tpu.memory_space<vmem>>
    %dma_wait3A_77 = tpu.memref_squeeze %dma_wait3A_76 : memref<1x64xi32, #tpu.memory_space<vmem>> -> memref<64xi32, #tpu.memory_space<vmem>>
    %dma_wait3A_78 = arith.constant 0 : i32
    %dma_wait3A_79 = arith.constant 0 : i32
    %dma_wait3A_80 = tpu.memref_slice %arg3[%dma_wait3A_78, %dma_wait3A_79] : memref<4096x256xf32, #tpu.memory_space<hbm>> -> memref<4096x256xf32, #tpu.memory_space<hbm>>
    tpu.wait_indirect_dma semaphore(%arg14 : memref<!tpu.dma_semaphore, #tpu.memory_space<semaphore_mem>>) src(%dma_wait3A_80 : memref<4096x256xf32, #tpu.memory_space<hbm>>) dst(%arg7 : memref<64x256xf32, #tpu.memory_space<vmem>>)
    %add3A_81 = arith.constant 64 : i32
    %add3A_82 = arith.addi %mul3A_2, %add3A_81 : i32
    %dma_start3A_83 = arith.constant 0 : i32
    %dma_start3A_84 = tpu.memref_slice %arg4[%add3A_82, %dma_start3A_83] : memref<16384x256xf32, #tpu.memory_space<hbm>> -> memref<64x256xf32, #tpu.memory_space<hbm>>
    %dma_start3A_85 = arith.constant 0 : i32
    %dma_start3A_86 = tpu.memref_slice %arg4[%add3A_82, %dma_start3A_85] : memref<16384x256xf32, #tpu.memory_space<hbm>> -> memref<64x256xf32, #tpu.memory_space<hbm>>
    tpu.enqueue_dma source(%arg7 : memref<64x256xf32, #tpu.memory_space<vmem>>) target(%dma_start3A_86 : memref<64x256xf32, #tpu.memory_space<hbm>>) target_semaphore(%arg22 : memref<!tpu.dma_semaphore, #tpu.memory_space<semaphore_mem>>)
    %dma_wait3A_87 = arith.constant 2 : i32
    %dma_wait3A_88 = arith.constant 0 : i32
    %dma_wait3A_89 = tpu.memref_slice %arg5[%dma_wait3A_87, %dma_wait3A_88] : memref<8x64xi32, #tpu.memory_space<vmem>> -> memref<1x64xi32, #tpu.memory_space<vmem>>
    %dma_wait3A_90 = tpu.memref_squeeze %dma_wait3A_89 : memref<1x64xi32, #tpu.memory_space<vmem>> -> memref<64xi32, #tpu.memory_space<vmem>>
    %dma_wait3A_91 = arith.constant 0 : i32
    %dma_wait3A_92 = arith.constant 0 : i32
    %dma_wait3A_93 = tpu.memref_slice %arg3[%dma_wait3A_91, %dma_wait3A_92] : memref<4096x256xf32, #tpu.memory_space<hbm>> -> memref<4096x256xf32, #tpu.memory_space<hbm>>
    tpu.wait_indirect_dma semaphore(%arg15 : memref<!tpu.dma_semaphore, #tpu.memory_space<semaphore_mem>>) src(%dma_wait3A_93 : memref<4096x256xf32, #tpu.memory_space<hbm>>) dst(%arg8 : memref<64x256xf32, #tpu.memory_space<vmem>>)
    %add3A_94 = arith.constant 128 : i32
    %add3A_95 = arith.addi %mul3A_2, %add3A_94 : i32
    %dma_start3A_96 = arith.constant 0 : i32
    %dma_start3A_97 = tpu.memref_slice %arg4[%add3A_95, %dma_start3A_96] : memref<16384x256xf32, #tpu.memory_space<hbm>> -> memref<64x256xf32, #tpu.memory_space<hbm>>
    %dma_start3A_98 = arith.constant 0 : i32
    %dma_start3A_99 = tpu.memref_slice %arg4[%add3A_95, %dma_start3A_98] : memref<16384x256xf32, #tpu.memory_space<hbm>> -> memref<64x256xf32, #tpu.memory_space<hbm>>
    tpu.enqueue_dma source(%arg8 : memref<64x256xf32, #tpu.memory_space<vmem>>) target(%dma_start3A_99 : memref<64x256xf32, #tpu.memory_space<hbm>>) target_semaphore(%arg23 : memref<!tpu.dma_semaphore, #tpu.memory_space<semaphore_mem>>)
    %dma_wait3A_100 = arith.constant 3 : i32
    %dma_wait3A_101 = arith.constant 0 : i32
    %dma_wait3A_102 = tpu.memref_slice %arg5[%dma_wait3A_100, %dma_wait3A_101] : memref<8x64xi32, #tpu.memory_space<vmem>> -> memref<1x64xi32, #tpu.memory_space<vmem>>
    %dma_wait3A_103 = tpu.memref_squeeze %dma_wait3A_102 : memref<1x64xi32, #tpu.memory_space<vmem>> -> memref<64xi32, #tpu.memory_space<vmem>>
    %dma_wait3A_104 = arith.constant 0 : i32
    %dma_wait3A_105 = arith.constant 0 : i32
    %dma_wait3A_106 = tpu.memref_slice %arg3[%dma_wait3A_104, %dma_wait3A_105] : memref<4096x256xf32, #tpu.memory_space<hbm>> -> memref<4096x256xf32, #tpu.memory_space<hbm>>
    tpu.wait_indirect_dma semaphore(%arg16 : memref<!tpu.dma_semaphore, #tpu.memory_space<semaphore_mem>>) src(%dma_wait3A_106 : memref<4096x256xf32, #tpu.memory_space<hbm>>) dst(%arg9 : memref<64x256xf32, #tpu.memory_space<vmem>>)
    %add3A_107 = arith.constant 192 : i32
    %add3A_108 = arith.addi %mul3A_2, %add3A_107 : i32
    %dma_start3A_109 = arith.constant 0 : i32
    %dma_start3A_110 = tpu.memref_slice %arg4[%add3A_108, %dma_start3A_109] : memref<16384x256xf32, #tpu.memory_space<hbm>> -> memref<64x256xf32, #tpu.memory_space<hbm>>
    %dma_start3A_111 = arith.constant 0 : i32
    %dma_start3A_112 = tpu.memref_slice %arg4[%add3A_108, %dma_start3A_111] : memref<16384x256xf32, #tpu.memory_space<hbm>> -> memref<64x256xf32, #tpu.memory_space<hbm>>
    tpu.enqueue_dma source(%arg9 : memref<64x256xf32, #tpu.memory_space<vmem>>) target(%dma_start3A_112 : memref<64x256xf32, #tpu.memory_space<hbm>>) target_semaphore(%arg24 : memref<!tpu.dma_semaphore, #tpu.memory_space<semaphore_mem>>)
    %dma_wait3A_113 = arith.constant 4 : i32
    %dma_wait3A_114 = arith.constant 0 : i32
    %dma_wait3A_115 = tpu.memref_slice %arg5[%dma_wait3A_113, %dma_wait3A_114] : memref<8x64xi32, #tpu.memory_space<vmem>> -> memref<1x64xi32, #tpu.memory_space<vmem>>
    %dma_wait3A_116 = tpu.memref_squeeze %dma_wait3A_115 : memref<1x64xi32, #tpu.memory_space<vmem>> -> memref<64xi32, #tpu.memory_space<vmem>>
    %dma_wait3A_117 = arith.constant 0 : i32
    %dma_wait3A_118 = arith.constant 0 : i32
    %dma_wait3A_119 = tpu.memref_slice %arg3[%dma_wait3A_117, %dma_wait3A_118] : memref<4096x256xf32, #tpu.memory_space<hbm>> -> memref<4096x256xf32, #tpu.memory_space<hbm>>
    tpu.wait_indirect_dma semaphore(%arg17 : memref<!tpu.dma_semaphore, #tpu.memory_space<semaphore_mem>>) src(%dma_wait3A_119 : memref<4096x256xf32, #tpu.memory_space<hbm>>) dst(%arg10 : memref<64x256xf32, #tpu.memory_space<vmem>>)
    %add3A_120 = arith.constant 256 : i32
    %add3A_121 = arith.addi %mul3A_2, %add3A_120 : i32
    %dma_start3A_122 = arith.constant 0 : i32
    %dma_start3A_123 = tpu.memref_slice %arg4[%add3A_121, %dma_start3A_122] : memref<16384x256xf32, #tpu.memory_space<hbm>> -> memref<64x256xf32, #tpu.memory_space<hbm>>
    %dma_start3A_124 = arith.constant 0 : i32
    %dma_start3A_125 = tpu.memref_slice %arg4[%add3A_121, %dma_start3A_124] : memref<16384x256xf32, #tpu.memory_space<hbm>> -> memref<64x256xf32, #tpu.memory_space<hbm>>
    tpu.enqueue_dma source(%arg10 : memref<64x256xf32, #tpu.memory_space<vmem>>) target(%dma_start3A_125 : memref<64x256xf32, #tpu.memory_space<hbm>>) target_semaphore(%arg25 : memref<!tpu.dma_semaphore, #tpu.memory_space<semaphore_mem>>)
    %dma_wait3A_126 = arith.constant 5 : i32
    %dma_wait3A_127 = arith.constant 0 : i32
    %dma_wait3A_128 = tpu.memref_slice %arg5[%dma_wait3A_126, %dma_wait3A_127] : memref<8x64xi32, #tpu.memory_space<vmem>> -> memref<1x64xi32, #tpu.memory_space<vmem>>
    %dma_wait3A_129 = tpu.memref_squeeze %dma_wait3A_128 : memref<1x64xi32, #tpu.memory_space<vmem>> -> memref<64xi32, #tpu.memory_space<vmem>>
    %dma_wait3A_130 = arith.constant 0 : i32
    %dma_wait3A_131 = arith.constant 0 : i32
    %dma_wait3A_132 = tpu.memref_slice %arg3[%dma_wait3A_130, %dma_wait3A_131] : memref<4096x256xf32, #tpu.memory_space<hbm>> -> memref<4096x256xf32, #tpu.memory_space<hbm>>
    tpu.wait_indirect_dma semaphore(%arg18 : memref<!tpu.dma_semaphore, #tpu.memory_space<semaphore_mem>>) src(%dma_wait3A_132 : memref<4096x256xf32, #tpu.memory_space<hbm>>) dst(%arg11 : memref<64x256xf32, #tpu.memory_space<vmem>>)
    %add3A_133 = arith.constant 320 : i32
    %add3A_134 = arith.addi %mul3A_2, %add3A_133 : i32
    %dma_start3A_135 = arith.constant 0 : i32
    %dma_start3A_136 = tpu.memref_slice %arg4[%add3A_134, %dma_start3A_135] : memref<16384x256xf32, #tpu.memory_space<hbm>> -> memref<64x256xf32, #tpu.memory_space<hbm>>
    %dma_start3A_137 = arith.constant 0 : i32
    %dma_start3A_138 = tpu.memref_slice %arg4[%add3A_134, %dma_start3A_137] : memref<16384x256xf32, #tpu.memory_space<hbm>> -> memref<64x256xf32, #tpu.memory_space<hbm>>
    tpu.enqueue_dma source(%arg11 : memref<64x256xf32, #tpu.memory_space<vmem>>) target(%dma_start3A_138 : memref<64x256xf32, #tpu.memory_space<hbm>>) target_semaphore(%arg26 : memref<!tpu.dma_semaphore, #tpu.memory_space<semaphore_mem>>)
    %dma_wait3A_139 = arith.constant 6 : i32
    %dma_wait3A_140 = arith.constant 0 : i32
    %dma_wait3A_141 = tpu.memref_slice %arg5[%dma_wait3A_139, %dma_wait3A_140] : memref<8x64xi32, #tpu.memory_space<vmem>> -> memref<1x64xi32, #tpu.memory_space<vmem>>
    %dma_wait3A_142 = tpu.memref_squeeze %dma_wait3A_141 : memref<1x64xi32, #tpu.memory_space<vmem>> -> memref<64xi32, #tpu.memory_space<vmem>>
    %dma_wait3A_143 = arith.constant 0 : i32
    %dma_wait3A_144 = arith.constant 0 : i32
    %dma_wait3A_145 = tpu.memref_slice %arg3[%dma_wait3A_143, %dma_wait3A_144] : memref<4096x256xf32, #tpu.memory_space<hbm>> -> memref<4096x256xf32, #tpu.memory_space<hbm>>
    tpu.wait_indirect_dma semaphore(%arg19 : memref<!tpu.dma_semaphore, #tpu.memory_space<semaphore_mem>>) src(%dma_wait3A_145 : memref<4096x256xf32, #tpu.memory_space<hbm>>) dst(%arg12 : memref<64x256xf32, #tpu.memory_space<vmem>>)
    %add3A_146 = arith.constant 384 : i32
    %add3A_147 = arith.addi %mul3A_2, %add3A_146 : i32
    %dma_start3A_148 = arith.constant 0 : i32
    %dma_start3A_149 = tpu.memref_slice %arg4[%add3A_147, %dma_start3A_148] : memref<16384x256xf32, #tpu.memory_space<hbm>> -> memref<64x256xf32, #tpu.memory_space<hbm>>
    %dma_start3A_150 = arith.constant 0 : i32
    %dma_start3A_151 = tpu.memref_slice %arg4[%add3A_147, %dma_start3A_150] : memref<16384x256xf32, #tpu.memory_space<hbm>> -> memref<64x256xf32, #tpu.memory_space<hbm>>
    tpu.enqueue_dma source(%arg12 : memref<64x256xf32, #tpu.memory_space<vmem>>) target(%dma_start3A_151 : memref<64x256xf32, #tpu.memory_space<hbm>>) target_semaphore(%arg27 : memref<!tpu.dma_semaphore, #tpu.memory_space<semaphore_mem>>)
    %dma_wait3A_152 = arith.constant 7 : i32
    %dma_wait3A_153 = arith.constant 0 : i32
    %dma_wait3A_154 = tpu.memref_slice %arg5[%dma_wait3A_152, %dma_wait3A_153] : memref<8x64xi32, #tpu.memory_space<vmem>> -> memref<1x64xi32, #tpu.memory_space<vmem>>
    %dma_wait3A_155 = tpu.memref_squeeze %dma_wait3A_154 : memref<1x64xi32, #tpu.memory_space<vmem>> -> memref<64xi32, #tpu.memory_space<vmem>>
    %dma_wait3A_156 = arith.constant 0 : i32
    %dma_wait3A_157 = arith.constant 0 : i32
    %dma_wait3A_158 = tpu.memref_slice %arg3[%dma_wait3A_156, %dma_wait3A_157] : memref<4096x256xf32, #tpu.memory_space<hbm>> -> memref<4096x256xf32, #tpu.memory_space<hbm>>
    tpu.wait_indirect_dma semaphore(%arg20 : memref<!tpu.dma_semaphore, #tpu.memory_space<semaphore_mem>>) src(%dma_wait3A_158 : memref<4096x256xf32, #tpu.memory_space<hbm>>) dst(%arg6 : memref<64x256xf32, #tpu.memory_space<vmem>>)
    %add3A_159 = arith.constant 448 : i32
    %add3A_160 = arith.addi %mul3A_2, %add3A_159 : i32
    %dma_start3A_161 = arith.constant 0 : i32
    %dma_start3A_162 = tpu.memref_slice %arg4[%add3A_160, %dma_start3A_161] : memref<16384x256xf32, #tpu.memory_space<hbm>> -> memref<64x256xf32, #tpu.memory_space<hbm>>
    %dma_start3A_163 = arith.constant 0 : i32
    %dma_start3A_164 = tpu.memref_slice %arg4[%add3A_160, %dma_start3A_163] : memref<16384x256xf32, #tpu.memory_space<hbm>> -> memref<64x256xf32, #tpu.memory_space<hbm>>
    tpu.enqueue_dma source(%arg6 : memref<64x256xf32, #tpu.memory_space<vmem>>) target(%dma_start3A_164 : memref<64x256xf32, #tpu.memory_space<hbm>>) target_semaphore(%arg28 : memref<!tpu.dma_semaphore, #tpu.memory_space<semaphore_mem>>)
    %dma_wait3A_165 = arith.constant 0 : i32
    %dma_wait3A_166 = tpu.memref_slice %arg4[%add3A_82, %dma_wait3A_165] : memref<16384x256xf32, #tpu.memory_space<hbm>> -> memref<64x256xf32, #tpu.memory_space<hbm>>
    %dma_wait3A_167 = arith.constant 0 : i32
    %dma_wait3A_168 = tpu.memref_slice %arg4[%add3A_82, %dma_wait3A_167] : memref<16384x256xf32, #tpu.memory_space<hbm>> -> memref<64x256xf32, #tpu.memory_space<hbm>>
    tpu.wait_dma2 semaphore(%arg22 : memref<!tpu.dma_semaphore, #tpu.memory_space<semaphore_mem>>) src(%arg7 : memref<64x256xf32, #tpu.memory_space<vmem>>) dst(%dma_wait3A_168 : memref<64x256xf32, #tpu.memory_space<hbm>>)
    %dma_wait3A_169 = arith.constant 0 : i32
    %dma_wait3A_170 = tpu.memref_slice %arg4[%add3A_95, %dma_wait3A_169] : memref<16384x256xf32, #tpu.memory_space<hbm>> -> memref<64x256xf32, #tpu.memory_space<hbm>>
    %dma_wait3A_171 = arith.constant 0 : i32
    %dma_wait3A_172 = tpu.memref_slice %arg4[%add3A_95, %dma_wait3A_171] : memref<16384x256xf32, #tpu.memory_space<hbm>> -> memref<64x256xf32, #tpu.memory_space<hbm>>
    tpu.wait_dma2 semaphore(%arg23 : memref<!tpu.dma_semaphore, #tpu.memory_space<semaphore_mem>>) src(%arg8 : memref<64x256xf32, #tpu.memory_space<vmem>>) dst(%dma_wait3A_172 : memref<64x256xf32, #tpu.memory_space<hbm>>)
    %dma_wait3A_173 = arith.constant 0 : i32
    %dma_wait3A_174 = tpu.memref_slice %arg4[%add3A_108, %dma_wait3A_173] : memref<16384x256xf32, #tpu.memory_space<hbm>> -> memref<64x256xf32, #tpu.memory_space<hbm>>
    %dma_wait3A_175 = arith.constant 0 : i32
    %dma_wait3A_176 = tpu.memref_slice %arg4[%add3A_108, %dma_wait3A_175] : memref<16384x256xf32, #tpu.memory_space<hbm>> -> memref<64x256xf32, #tpu.memory_space<hbm>>
    tpu.wait_dma2 semaphore(%arg24 : memref<!tpu.dma_semaphore, #tpu.memory_space<semaphore_mem>>) src(%arg9 : memref<64x256xf32, #tpu.memory_space<vmem>>) dst(%dma_wait3A_176 : memref<64x256xf32, #tpu.memory_space<hbm>>)
    %dma_wait3A_177 = arith.constant 0 : i32
    %dma_wait3A_178 = tpu.memref_slice %arg4[%add3A_121, %dma_wait3A_177] : memref<16384x256xf32, #tpu.memory_space<hbm>> -> memref<64x256xf32, #tpu.memory_space<hbm>>
    %dma_wait3A_179 = arith.constant 0 : i32
    %dma_wait3A_180 = tpu.memref_slice %arg4[%add3A_121, %dma_wait3A_179] : memref<16384x256xf32, #tpu.memory_space<hbm>> -> memref<64x256xf32, #tpu.memory_space<hbm>>
    tpu.wait_dma2 semaphore(%arg25 : memref<!tpu.dma_semaphore, #tpu.memory_space<semaphore_mem>>) src(%arg10 : memref<64x256xf32, #tpu.memory_space<vmem>>) dst(%dma_wait3A_180 : memref<64x256xf32, #tpu.memory_space<hbm>>)
    %dma_wait3A_181 = arith.constant 0 : i32
    %dma_wait3A_182 = tpu.memref_slice %arg4[%add3A_134, %dma_wait3A_181] : memref<16384x256xf32, #tpu.memory_space<hbm>> -> memref<64x256xf32, #tpu.memory_space<hbm>>
    %dma_wait3A_183 = arith.constant 0 : i32
    %dma_wait3A_184 = tpu.memref_slice %arg4[%add3A_134, %dma_wait3A_183] : memref<16384x256xf32, #tpu.memory_space<hbm>> -> memref<64x256xf32, #tpu.memory_space<hbm>>
    tpu.wait_dma2 semaphore(%arg26 : memref<!tpu.dma_semaphore, #tpu.memory_space<semaphore_mem>>) src(%arg11 : memref<64x256xf32, #tpu.memory_space<vmem>>) dst(%dma_wait3A_184 : memref<64x256xf32, #tpu.memory_space<hbm>>)
    %dma_wait3A_185 = arith.constant 0 : i32
    %dma_wait3A_186 = tpu.memref_slice %arg4[%add3A_147, %dma_wait3A_185] : memref<16384x256xf32, #tpu.memory_space<hbm>> -> memref<64x256xf32, #tpu.memory_space<hbm>>
    %dma_wait3A_187 = arith.constant 0 : i32
    %dma_wait3A_188 = tpu.memref_slice %arg4[%add3A_147, %dma_wait3A_187] : memref<16384x256xf32, #tpu.memory_space<hbm>> -> memref<64x256xf32, #tpu.memory_space<hbm>>
    tpu.wait_dma2 semaphore(%arg27 : memref<!tpu.dma_semaphore, #tpu.memory_space<semaphore_mem>>) src(%arg12 : memref<64x256xf32, #tpu.memory_space<vmem>>) dst(%dma_wait3A_188 : memref<64x256xf32, #tpu.memory_space<hbm>>)
    %dma_wait3A_189 = arith.constant 0 : i32
    %dma_wait3A_190 = tpu.memref_slice %arg4[%add3A_160, %dma_wait3A_189] : memref<16384x256xf32, #tpu.memory_space<hbm>> -> memref<64x256xf32, #tpu.memory_space<hbm>>
    %dma_wait3A_191 = arith.constant 0 : i32
    %dma_wait3A_192 = tpu.memref_slice %arg4[%add3A_160, %dma_wait3A_191] : memref<16384x256xf32, #tpu.memory_space<hbm>> -> memref<64x256xf32, #tpu.memory_space<hbm>>
    tpu.wait_dma2 semaphore(%arg28 : memref<!tpu.dma_semaphore, #tpu.memory_space<semaphore_mem>>) src(%arg6 : memref<64x256xf32, #tpu.memory_space<vmem>>) dst(%dma_wait3A_192 : memref<64x256xf32, #tpu.memory_space<hbm>>)
    return
  }
}

</mosaic_0001>

<sc_bundles>
// kernel: kernel.3.cloned.1.call-start
scs
__scs_entry_jumppad:
0x0: {  	(pc) =	sbr.rel $0x88, $3  }
0x1: {  	(tag) =	ssettag $0x0;
	lr =	simm.s32 $0x1  }
0x2: {  	[smem:$0x3F9F] =	sst lr;
	_ =	strace $0xD0000000  }
0x3: {  	_ = 	snop  }
0x4: {  	_ = 	snop  }
0x5: {  	_ = 	snop  }
0x6: {  	_ = 	snop  }
0x7: {  	_ = 	snop  }
__scs_overlays_trampoline_lowered:
0x8: {  	[smem:$0x3FAE] =	sst s0  }
0x9: {  	[smem:$0x3FAF] =	sst s1  }
0xa: {  	[smem:$0x3FB0] =	sst s2  }
0xb: {  	[smem:$0x3FB1] =	sst s3  }
0xc: {  	[smem:$0x3FB2] =	sst s4  }
0xd: {  	[smem:$0x3FB3] =	sst s5  }
0xe: {  	[smem:$0x3FB4] =	sst s6  }
0xf: {  	[smem:$0x3FB5] =	sst s7  }
0x10: {  	[smem:$0x3FB6] =	sst s8  }
0x11: {  	[smem:$0x3FB7] =	sst s9;
	s0 =	simm.s32 @!p0 $0x0  }
0x12: {  	s1 =	sld [smem:$0x3F9D];
	s0 =	simm.s32 @p0 $0x1  }
0x13: {  	[smem:$0x3FB8] =	sst s0;
	s0 =	simm.s32 @!p1 $0x0  }
0x14: {  	s2 =	sld [smem:$0x3F9C];
	s0 =	simm.s32 @p1 $0x1  }
0x15: {  	[smem:$0x3FB9] =	sst s0;
	s0 =	simm.s32 @!p2 $0x0  }
0x16: {  	s3 =	sld [smem:$0x3FDB];
	s0 =	simm.s32 @p2 $0x1  }
0x17: {  	s4 =	simm.s32 $0x1BF5;
	[smem:$0x3FBB] =	sst s0  }
0x18: {  	s0 =	sld [smem:$0x3F9E];
	_ =	swait.ge [sflag:s4], $0x0  }
0x19: {  	s7 =	sld [smem:$0x3F9F]  }
0x1a: {  	s8 =	sadd.s32 $0xFFFFE003, lr  }
0x1b: {  	s9 =	sadd.s32 $0xFFFFFEF7, lr;
	s5 =	simm.s32 $0xFFFFFFFF;
	p2 =	slt.u32 s8, $0xFFFFF086  }
0x1c: {  	p1 =	slt.u32 s9, $0xF7A;
	s5 =	simm.s32 @!p2 $0x0  }
0x1d: {  	s5 =	simm.s32 @p1 $0x1;
	p0 =	seq.s32 s7, s2  }
0x1e: {  	s7 =	smul.u32 @!p0 $0xF7A, s2;
	p2 =	seq.s32 @!p0 s5, $0x0  }
0x1f: {  	s9 =	smul.u32 $0xF7A, s1;
	s8 =	simm.s32 @!p0 $0x1BF5;
	p2 =	por !p2, p0  }
0x20: {  	[sflag:s8] =	ssyncset.s32 @!p0 $0xFFFFF086;
	s6 =	sadd.s32 @!p0 s3, s7;
	s7 =	simm.s32 @!p0 $0x108  }
0x21: {  	s3 =	sadd.s32 s3, s9;
	s6 =	sadd.s32 @!p0 $0x88, s6;
	s7 =	simm.s32 @p2 $0x1082  }
0x22: {  	[simem:s7], [sflag:s8] =	dma.local @!p0 [hbm:s6], $0xF7A  }
0x23: {  	s9 =	sor.u32 $0xD0000000, s2;
	s6 =	simm.s32 $0x108;
	_ =	swait.ge @!p0 [sflag:s8], $0x0  }
0x24: {  	s3 =	sadd.s32 $0x88, s3;
	s6 =	simm.s32 @!p1 $0x1082;
	[sflag:s4] =	ssyncset.s32 $0xFFFFF086  }
0x25: {  	[simem:s6], [sflag:s4] =	dma.local [hbm:s3], $0xF7A  }
0x26: {  	[smem:$0x3F9F] =	sst s1;
	(tag) =	ssettag s2;
	_ =	strace s9  }
0x27: {  	s1 =	sld [smem:$0x3FAF]  }
0x28: {  	s2 =	sld [smem:$0x3FB0]  }
0x29: {  	s4 =	sld [smem:$0x3FB2]  }
0x2a: {  	p0 =	seq.s32 s5, $0x0;
	s5 =	sld [smem:$0x3FB3]  }
0x2b: {  	s6 =	sld [smem:$0x3FB4]  }
0x2c: {  	s7 =	sld [smem:$0x3FB5]  }
0x2d: {  	s3 =	simm.s32 $0x108;
	s8 =	sld [smem:$0x3FB6]  }
0x2e: {  	s3 =	simm.s32 @!p0 $0x1082;
	s9 =	sld [smem:$0x3FB7]  }
0x2f: {  	lr =	sadd.s32 s0, s3;
	s0 =	sld [smem:$0x3FAE]  }
0x30: {  	s3 =	sld [smem:$0x3FB1]  }
0x31: {  	[smem:$0x3FBA] =	sst s10  }
0x32: {  	s10 =	sld [smem:$0x3FB8];
	_ =	sdelay $0x3  }
0x33: {  	p0 =	seq.s32 s10, $0x1;
	s10 =	sld [smem:$0x3FBA];
	_ =	sdelay $0x3  }
0x34: {  	[smem:$0x3FBA] =	sst s10  }
0x35: {  	s10 =	sld [smem:$0x3FB9];
	_ =	sdelay $0x3  }
0x36: {  	p1 =	seq.s32 s10, $0x1;
	s10 =	sld [smem:$0x3FBA];
	_ =	sdelay $0x3  }
0x37: {  	[smem:$0x3FBA] =	sst s10  }
0x38: {  	s10 =	sld [smem:$0x3FBB]  }
0x39: {  	_ = 	snop;
	(pc) =	sbr.ind lr, $3  }
0x3a: {  	_ = 	snop  }
0x3b: {  	_ = 	snop  }
0x3c: {  	p2 =	seq.s32 s10, $0x1;
	s10 =	sld [smem:$0x3FBA]  }
0x3d: {  	_ =	shalt  }
0x3e: {  	_ =	shalt  }
0x3f: {  	_ =	shalt  }
0x40: {  	_ =	shalt  }
0x41: {  	_ =	shalt  }
0x42: {  	_ =	shalt  }
0x43: {  	_ =	shalt  }
0x44: {  	_ =	shalt  }
0x45: {  	_ =	shalt  }
0x46: {  	_ =	shalt  }
0x47: {  	_ =	shalt  }
0x48: {  	_ =	shalt  }
0x49: {  	_ =	shalt  }
0x4a: {  	_ =	shalt  }
0x4b: {  	_ =	shalt  }
0x4c: {  	_ =	shalt  }
0x4d: {  	_ =	shalt  }
0x4e: {  	_ =	shalt  }
0x4f: {  	_ =	shalt  }
0x50: {  	_ =	shalt  }
0x51: {  	_ =	shalt  }
0x52: {  	_ =	shalt  }
0x53: {  	_ =	shalt  }
0x54: {  	_ =	shalt  }
0x55: {  	_ =	shalt  }
0x56: {  	_ =	shalt  }
0x57: {  	_ =	shalt  }
0x58: {  	_ =	shalt  }
0x59: {  	_ =	shalt  }
0x5a: {  	_ =	shalt  }
0x5b: {  	_ =	shalt  }
0x5c: {  	_ =	shalt  }
0x5d: {  	_ =	shalt  }
0x5e: {  	_ =	shalt  }
0x5f: {  	_ =	shalt  }
0x60: {  	_ =	shalt  }
0x61: {  	_ =	shalt  }
0x62: {  	_ =	shalt  }
0x63: {  	_ =	shalt  }
0x64: {  	_ =	shalt  }
0x65: {  	_ =	shalt  }
0x66: {  	_ =	shalt  }
0x67: {  	_ =	shalt  }
0x68: {  	_ =	shalt  }
0x69: {  	_ =	shalt  }
0x6a: {  	_ =	shalt  }
0x6b: {  	_ =	shalt  }
0x6c: {  	_ =	shalt  }
0x6d: {  	_ =	shalt  }
0x6e: {  	_ =	shalt  }
0x6f: {  	_ =	shalt  }
0x70: {  	_ =	shalt  }
0x71: {  	_ =	shalt  }
0x72: {  	_ =	shalt  }
0x73: {  	_ =	shalt  }
0x74: {  	_ =	shalt  }
0x75: {  	_ =	shalt  }
0x76: {  	_ =	shalt  }
0x77: {  	_ =	shalt  }
0x78: {  	_ =	shalt  }
0x79: {  	_ =	shalt  }
0x7a: {  	_ =	shalt  }
0x7b: {  	_ =	shalt  }
0x7c: {  	_ =	shalt  }
0x7d: {  	_ =	shalt  }
0x7e: {  	_ =	shalt  }
0x7f: {  	_ =	shalt  }
0x80: {  	_ =	shalt  }
0x81: {  	_ =	shalt  }
0x82: {  	_ =	shalt  }
0x83: {  	_ =	shalt  }
0x84: {  	_ =	shalt  }
0x85: {  	_ =	shalt  }
0x86: {  	_ =	shalt  }
0x87: {  	_ =	shalt  }
.Lfunc_end0:
.L_simem_size_0:
called_computation_lowered:
.L_overlay_start_0:
0x88: {  	s2 =	sld [smem:$0x3FD9]  }
0x89: {  	s3 =	sld [smem:$0x3FFE];
	_ =	sdelay $0x1  }
0x8a: {  	s1 =	srdreg.scid  }
0x8b: {  	s0 =	sand.u32 $0x1, s1  }
0x8c: {  	s17 =	sshll.u32 s0, $0xA;
	s2 =	sadd.s32 s3, s2  }
0x8d: {  	s2 =	sadd.s32 s2, s17  }
0x8e: {  	[smem:$0x3FC6] =	sst s2  }
0x8f: {  	_ = 	snop  }
0x90: {  	s2 =	sld [smem:$0x3FD0];
	(tm) =	ssettm $0x1  }
0x91: {  	s18 =	sld [smem:$0x3FFB];
	_ =	sdelay $0x3  }
0x92: {  	_ =	strace s18  }
0x93: {  	s3 =	sld [smem:$0x3FFC];
	_ =	sdelay $0x3  }
0x94: {  	_ =	strace s3  }
0x95: {  	s3 =	sld [smem:$0x3FFD];
	_ =	sdelay $0x3  }
0x96: {  	_ =	strace s3  }
0x97: {  	_ =	strace $0x8FFFFFFF  }
0x98: {  	s19 =	sld [smem:$0x3FDB];
	_ =	sdelay $0x1  }
0x99: {  	s4 =	simm.s32 $_scs_section_size  }
0x9a: {  	s5 =	simm.s32 $_size__tile_overlayer_lowered;
	s6 =	simm.s32 $_tile_overlayer_lowered  }
0x9b: {  	s22 =	simm.s32 $0x1BFF;
	s21 =	sshll.u32 s6, $0x1;
	s3 =	sadd.s32 s4, s19  }
0x9c: {  	s7 =	simm.s32 $0x0;
	s20 =	sshll.u32 s5, $0x1;
	s5 =	sadd.s32 s21, s3  }
0x9d: {  	[timem:s7], [sflag:s22] =	dma.local [hbm:s5], s20  }
0x9e: {  	_ =	swait.ge [sflag:s22], s20  }
0x9f: {  	s4 =	ssub.s32 $0x0, s20;
	[sflag:s22] =	ssyncset.done $0x0  }
0xa0: {  	[sflag:s22] =	ssyncadd.s32 s4;
	_ =	sdelay $0x1  }
0xa1: {  	s23 =	simm.s32 $0x1B8B  }
0xa2: {  	_ =	swait.ge [sflag:s23], $0x1  }
0xa3: {  	[sflag:s23] =	ssyncset.done $0x0  }
0xa4: {  	s25 =	simm.s32 $0x1B8E;
	s24 =	sld [smem:$0x3FFE];
	[sflag:s23] =	ssyncadd.s32 $0xFFFFFFFF  }
0xa5: {  	s26 =	simm.s32 $execute0_lowered;
	[smem:$0x3FD2] =	sst s25  }
0xa6: {  	s5 =	sshll.u32 s26, $0x1;
	_ =	strace $0x80000046;
	[dreg:$0x1] =	wrdreg $0xFFFFFFFF  }
0xa7: {  	s28 =	simm.s32 $_size_execute0_lowered;
	s3 =	sadd.s32 s3, s5;
	[dreg:$0x0] =	wrdreg $0x0  }
0xa8: {  	s5 =	sshll.u32 s28, $0x1;
	[dreg:$0x2] =	wrdreg s3  }
0xa9: {  	[dreg:$0x3] =	wrdreg s5  }
0xaa: {  	[dreg:$0x4] =	wrdreg $0xC0  }
0xab: {  	_ =	task [dreg:s7], $0x5FFFF  }
0xac: {  	[dreg:$0x1] =	wrdreg $0xFFFFFFFF  }
0xad: {  	[dreg:$0x0] =	wrdreg $0x60  }
0xae: {  	[dreg:$0x2] =	wrdreg s24  }
0xaf: {  	[dreg:$0x3] =	wrdreg s2  }
0xb0: {  	[dreg:$0x4] =	wrdreg $0x9  }
0xb1: {  	_ =	task.clear_ibuf [dreg:s7], $0x5FFFF;
	_ =	strace $0x90000046  }
0xb2: {  	s29 =	simm.s32 $0x9;
	_ =	strace $0x80000048  }
0xb3: {  	_ =	swait.ge [sflag:s29], $0x1  }
0xb4: {  	[sflag:s29] =	ssyncadd.s32 $0xFFFFFFFF  }
0xb5: {  	_ =	strace $0x90000048  }
0xb6: {  	_ =	sfence  }
0xb7: {  	s30 =	sld [smem:$0x0];
	_ =	sdelay $0x2  }
0xb8: {  	s31 =	sshll.u32 s1, $0xD;
	s1 =	sshrl.u32 s1, $0x2  }
0xb9: {  	s3 =	sand.u32 $0x4000, s31;
	s1 =	sadd.s32 s1, s30  }
0xba: {  	s0 =	sor.u32 s3, s0;
	s1 =	sshll.u32 s1, $0x11  }
0xbb: {  	s0 =	sor.u32 s1, s0  }
0xbc: {  	s0 =	sadd.s32 $0x8F2B, s0  }
0xbd: {  	[sflag:s0] =	ssyncadd.remote.s32 $0x1  }
0xbe: {  	_ =	sfence.sel $0xFFFF  }
0xbf: {  	[dreg:$0x0] =	wrdreg $0xFFFFFFFF;
	(pc) =	sbr.abs _section_cstart, $3  }
0xc0: {  	[dreg:$0x1] =	wrdreg $0xFFFFFFFF  }
0xc1: {  	_ =	task.clear_ibuf [dreg:s7], $0x2FFFF;
	_ =	strace $0x9FFFFFFF  }
0xc2: {  	(tm) =	ssettm $0x7FFFFFFF  }
0xc3: {  	_ =	shalt  }
tec
execute0_lowered:
.L_overlay_start_1:
0x0: {  	(tag) =	ssettag $0x1  }
0x1: {  	s0 =	srdreg.scid;
	s2 =	stileid.u32  }
0x2: {  	s1 =	rddreg [dreg:$0x0];
	s0 =	sand.u32 $0x1, s0;
	s2 =	sshll.u32 s2, $0x1  }
0x3: {  	s3 =	rddreg [dreg:$0x1];
	s4 =	sor.u32 s0, s2;
	s2 =	simm.s32 $0x0  }
0x4: {  	s7 =	simm.s32 $0x4C00;
	[smem:$0x7FF] =	sst s2  }
0x5: {  	s8 =	simm.s32 $0x5400;
	_ =	strace $0x80000047;
	[dreg:$0xb] =	wrdreg s7  }
0x6: {  	s9 =	simm.s32 $0x5C00;
	[dreg:$0xc] =	wrdreg s8  }
0x7: {  	s10 =	simm.s32 $0x6400;
	[dreg:$0xd] =	wrdreg s9  }
0x8: {  	s11 =	simm.s32 $0x6C00;
	[dreg:$0xe] =	wrdreg s10  }
0x9: {  	s12 =	simm.s32 $0x7400;
	[dreg:$0xf] =	wrdreg s11  }
0xa: {  	s13 =	simm.s32 $0x7C00;
	[dreg:$0x10] =	wrdreg s12  }
0xb: {  	s14 =	simm.s32 $0x8C00;
	[dreg:$0x11] =	wrdreg s13  }
0xc: {  	s15 =	simm.s32 $0x9400;
	[dreg:$0x12] =	wrdreg s14  }
0xd: {  	s16 =	simm.s32 $0x9C00;
	[dreg:$0x13] =	wrdreg s15  }
0xe: {  	s17 =	simm.s32 $0xA400;
	[dreg:$0x14] =	wrdreg s16  }
0xf: {  	s18 =	simm.s32 $0xAC00;
	[dreg:$0x15] =	wrdreg s17  }
0x10: {  	s19 =	simm.s32 $0xB400;
	[dreg:$0x16] =	wrdreg s18  }
0x11: {  	s20 =	simm.s32 $0xBC00;
	[dreg:$0x17] =	wrdreg s19  }
0x12: {  	s21 =	simm.s32 $0xCC00;
	s22 =	simm.s32 $0xD400;
	[dreg:$0x18] =	wrdreg s20  }
0x13: {  	s5 =	sshll.u32 s4, $0x7;
	s4 =	sshll.u32 s4, $0xE;
	[dreg:$0x19] =	wrdreg s21  }
0x14: {  	s3 =	sadd.s32 s3, s4;
	[dreg:$0x1a] =	wrdreg s22  }
0x15: {  	s7 =	simm.s32 $0x11C00;
	[smem:$0x7E8] =	sst s3  }
0x16: {  	s8 =	simm.s32 $0x12400;
	[smem:$0x7EB] =	sst s7  }
0x17: {  	s10 =	simm.s32 $0x12C00;
	[smem:$0x7EC] =	sst s8  }
0x18: {  	s11 =	simm.s32 $0x13400;
	[smem:$0x7ED] =	sst s10  }
0x19: {  	s12 =	simm.s32 $0x13C00;
	[smem:$0x7EE] =	sst s11  }
0x1a: {  	s13 =	simm.s32 $0x14C00;
	[smem:$0x7EF] =	sst s12  }
0x1b: {  	s14 =	simm.s32 $0x15400;
	[smem:$0x7F0] =	sst s13  }
0x1c: {  	s15 =	simm.s32 $0x15C00;
	[smem:$0x7F1] =	sst s14  }
0x1d: {  	s28 =	simm.s32 $0x6;
	s16 =	simm.s32 $0x16400;
	[smem:$0x7F2] =	sst s15  }
0x1e: {  	s29 =	simm.s32 $0x7;
	s17 =	simm.s32 $0x16C00;
	[smem:$0x7F3] =	sst s16  }
0x1f: {  	s30 =	simm.s32 $0x8;
	s18 =	simm.s32 $0x17400;
	[smem:$0x7F4] =	sst s17  }
0x20: {  	s31 =	simm.s32 $0xA;
	s19 =	simm.s32 $0x17C00;
	[smem:$0x7F5] =	sst s18  }
0x21: {  	s0 =	ssub.s32 $0x2, s0;
	s20 =	simm.s32 $0x18C00;
	[smem:$0x7F6] =	sst s19  }
0x22: {  	s5 =	sadd.s32 s5, s1;
	s21 =	simm.s32 $0x19400;
	[smem:$0x7F7] =	sst s20  }
0x23: {  	s9 =	sshrl.u32 s0, $0x1;
	s22 =	simm.s32 $0x19C00;
	[smem:$0x7F8] =	sst s21  }
0x24: {  	s5 =	sadd.s32 $0x400, s5;
	s4 =	sadd.s32 $0x800, s3;
	[smem:$0x7F9] =	sst s22  }
0x25: {  	s23 =	sadd.s32 $0x1000, s3;
	s24 =	sadd.s32 $0x1800, s3;
	[dreg:$0x3] =	wrdreg s5  }
0x26: {  	s25 =	sadd.s32 $0x2000, s3;
	s26 =	sadd.s32 $0x2800, s3;
	[dreg:$0x4] =	wrdreg s4  }
0x27: {  	s6 =	sadd.s32 $0x3800, s3;
	s0 =	ssub.s32 s0, s9;
	[dreg:$0x5] =	wrdreg s23  }
0x28: {  	s7 =	simm.s32 $0x400;
	s8 =	simm.s32 $0xD;
	[dreg:$0x6] =	wrdreg s24  }
0x29: {  	s9 =	simm.s32 $0xE;
	s10 =	simm.s32 $0xF;
	[dreg:$0x7] =	wrdreg s25  }
0x2a: {  	s11 =	simm.s32 $0x10;
	s14 =	simm.s32 $0xC00;
	[dreg:$0x8] =	wrdreg s26  }
0x2b: {  	s15 =	simm.s32 $0x1400;
	s5 =	sadd.s32 $0x3000, s3;
	[dreg:$0xa] =	wrdreg s6  }
0x2c: {  	s16 =	simm.s32 $0x1C00;
	s23 =	simm.s32 $0xDC00;
	[dreg:$0x9] =	wrdreg s5  }
0x2d: {  	s17 =	simm.s32 $0x2400;
	s24 =	simm.s32 $0xE400;
	[dreg:$0x1b] =	wrdreg s23  }
0x2e: {  	s18 =	simm.s32 $0x2C00;
	s25 =	simm.s32 $0xEC00;
	[dreg:$0x1c] =	wrdreg s24  }
0x2f: {  	s19 =	simm.s32 $0x3400;
	s26 =	simm.s32 $0xF400;
	[dreg:$0x1d] =	wrdreg s25  }
0x30: {  	s20 =	simm.s32 $0x3C00;
	s3 =	simm.s32 $0xFC00;
	[dreg:$0x1e] =	wrdreg s26  }
0x31: {  	s21 =	simm.s32 $0xC400;
	s6 =	simm.s32 $0x11400;
	[dreg:$0x1f] =	wrdreg s3  }
0x32: {  	s22 =	simm.s32 $0x10400;
	s5 =	simm.s32 $0x10C00;
	[smem:$0x7EA] =	sst s6  }
0x33: {  	s4 =	sadd.s32 $0x1400, s1;
	s23 =	simm.s32 $0x1A400;
	[smem:$0x7E9] =	sst s5  }
0x34: {  	s1 =	simm.s32 $0xB;
	s24 =	simm.s32 $0x1AC00;
	[smem:$0x7FA] =	sst s23  }
0x35: {  	s25 =	simm.s32 $0x1B400;
	s26 =	simm.s32 $0x1BC00;
	[smem:$0x7FB] =	sst s24  }
0x36: {  	v2 =	vlaneseq.u32;
	s6 =	simm.s32 $0x8400;
	s5 =	smax.u32 s0, $0x1;
	[smem:$0x7FC] =	sst s25  }
0x37: {  	vm0 =	vmmov $0xffff;
	v1 =	vshrl.u32 v2, $0x3;
	[smem:$0x7FD] =	sst s26;
	s25 =	simm.s32 $0x4;
	s26 =	simm.s32 $0x5  }
0x38: {  	v0 =	vand.u32 $0x7, v2;
	v2 =	vor.u32 $0x8, v2;
	v1 =	vmul.u32 $0x8, v1;
	s0 =	simm.s32 $0xC;
	s23 =	simm.s32 $0x14400;
	s24 =	simm.s32 $0x18400  }
.LBB2_1:
0x39: {  	s12 =	rddreg [dreg:$0x3];
	s3 =	simm.s32 $0x11  }
0x3a: {  	[tilespmem:s2], [sflag:$0x11] =	stream.linear.gather [hbm4b:s12+s2], $0x400, $0x38;
	[tilespmem:$0x1C400] =	vst v63  }
0x3b: {  	_ =	swait.ge [sflag:s3], $0x400  }
0x3c: {  	[sflag:s3] =	ssyncset.done $0x0  }
0x3d: {  	[sflag:s3] =	ssyncadd.s32 $0xFFFFFC00  }
0x3e: {  	v3 =	vld [tilespmem:$0x0];
	_ =	sdelay $0x4  }
0x3f: {  	v4 =	vshll.u32 v3, $0x1  }
0x40: {  	v3 =	vand.u32 $0x7, v3;
	v4 =	vand.u32 $0xFFFFFFF0, v4  }
0x41: {  	v3 =	vor.u32 v3, v4  }
0x42: {  	v4 =	vperm.xlane v3, v0;
	_ =	sdelay $0x1  }
0x43: {  	v3 =	vperm.xlane v3, v2;
	v4 =	vadd.s32 v1, v4;
	_ =	sdelay $0x1  }
0x44: {  	v3 =	vadd.s32 v1, v3;
	_ =	sdelay $0x2  }
0x45: {  	[tilespmem:s7], [sflag:$0x1] =	stream.indirect_vreg.gather [hbm4b:s4+s2], $0x80, v4, vm0, $0xb8;
	[tilespmem:$0x1C400] =	vst v63  }
0x46: {  	_ = 	snop  }
0x47: {  	[tilespmem:s14], [sflag:$0x1] =	stream.indirect_vreg.gather [hbm4b:s4+s2], $0x80, v3, vm0, $0xb8;
	[tilespmem:$0x1C400] =	vst v63  }
0x48: {  	v3 =	vld [tilespmem:$0x10];
	_ =	sdelay $0x4  }
0x49: {  	v33 =	vshll.u32 v3, $0x1  }
0x4a: {  	v3 =	vand.u32 $0x7, v3;
	v4 =	vand.u32 $0xFFFFFFF0, v33  }
0x4b: {  	v3 =	vor.u32 v3, v4  }
0x4c: {  	v4 =	vperm.xlane v3, v0;
	_ =	sdelay $0x1  }
0x4d: {  	v3 =	vperm.xlane v3, v2;
	v4 =	vadd.s32 v1, v4;
	_ =	sdelay $0x1  }
0x4e: {  	v3 =	vadd.s32 v1, v3;
	_ =	sdelay $0x2  }
0x4f: {  	[tilespmem:s15], [sflag:$0x1] =	stream.indirect_vreg.gather [hbm4b:s4+s2], $0x80, v4, vm0, $0xb8;
	[tilespmem:$0x1C400] =	vst v63  }
0x50: {  	_ = 	snop  }
0x51: {  	[tilespmem:s16], [sflag:$0x1] =	stream.indirect_vreg.gather [hbm4b:s4+s2], $0x80, v3, vm0, $0xb8;
	[tilespmem:$0x1C400] =	vst v63  }
0x52: {  	v3 =	vld [tilespmem:$0x20];
	_ =	sdelay $0x4  }
0x53: {  	v34 =	vshll.u32 v3, $0x1  }
0x54: {  	v3 =	vand.u32 $0x7, v3;
	v4 =	vand.u32 $0xFFFFFFF0, v34  }
0x55: {  	v3 =	vor.u32 v3, v4  }
0x56: {  	v4 =	vperm.xlane v3, v0;
	_ =	sdelay $0x1  }
0x57: {  	v3 =	vperm.xlane v3, v2;
	v4 =	vadd.s32 v1, v4;
	_ =	sdelay $0x1  }
0x58: {  	v3 =	vadd.s32 v1, v3;
	_ =	sdelay $0x2  }
0x59: {  	[tilespmem:s17], [sflag:$0x1] =	stream.indirect_vreg.gather [hbm4b:s4+s2], $0x80, v4, vm0, $0xb8;
	[tilespmem:$0x1C400] =	vst v63  }
0x5a: {  	_ = 	snop  }
0x5b: {  	[tilespmem:s18], [sflag:$0x1] =	stream.indirect_vreg.gather [hbm4b:s4+s2], $0x80, v3, vm0, $0xb8;
	[tilespmem:$0x1C400] =	vst v63  }
0x5c: {  	v3 =	vld [tilespmem:$0x30];
	_ =	sdelay $0x4  }
0x5d: {  	v35 =	vshll.u32 v3, $0x1  }
0x5e: {  	v3 =	vand.u32 $0x7, v3;
	v4 =	vand.u32 $0xFFFFFFF0, v35  }
0x5f: {  	v3 =	vor.u32 v3, v4  }
0x60: {  	v4 =	vperm.xlane v3, v0;
	_ =	sdelay $0x1  }
0x61: {  	v3 =	vperm.xlane v3, v2;
	v4 =	vadd.s32 v1, v4;
	_ =	sdelay $0x1  }
0x62: {  	v3 =	vadd.s32 v1, v3;
	_ =	sdelay $0x2  }
0x63: {  	[tilespmem:s19], [sflag:$0x1] =	stream.indirect_vreg.gather [hbm4b:s4+s2], $0x80, v4, vm0, $0xb8;
	[tilespmem:$0x1C400] =	vst v63  }
0x64: {  	_ = 	snop  }
0x65: {  	[tilespmem:s20], [sflag:$0x1] =	stream.indirect_vreg.gather [hbm4b:s4+s2], $0x80, v3, vm0, $0xb8;
	[tilespmem:$0x1C400] =	vst v63  }
0x66: {  	v3 =	vld [tilespmem:$0x80];
	_ =	sdelay $0x4  }
0x67: {  	v36 =	vshll.u32 v3, $0x1  }
0x68: {  	v3 =	vand.u32 $0x7, v3;
	v4 =	vand.u32 $0xFFFFFFF0, v36  }
0x69: {  	v3 =	vor.u32 v3, v4  }
0x6a: {  	v4 =	vperm.xlane v3, v0;
	_ =	sdelay $0x1  }
0x6b: {  	v3 =	vperm.xlane v3, v2;
	v4 =	vadd.s32 v1, v4;
	_ =	sdelay $0x1  }
0x6c: {  	v3 =	vadd.s32 v1, v3;
	_ =	sdelay $0x1  }
0x6d: {  	s3 =	simm.s32 $0x4400  }
0x6e: {  	[tilespmem:s3], [sflag:$0x2] =	stream.indirect_vreg.gather [hbm4b:s4+s2], $0x80, v4, vm0, $0xb8;
	[tilespmem:$0x1C400] =	vst v63  }
0x6f: {  	s13 =	rddreg [dreg:$0xb]  }
0x70: {  	[tilespmem:s13], [sflag:$0x2] =	stream.indirect_vreg.gather [hbm4b:s4+s2], $0x80, v3, vm0, $0xb8;
	[tilespmem:$0x1C400] =	vst v63  }
0x71: {  	v3 =	vld [tilespmem:$0x90];
	_ =	sdelay $0x4  }
0x72: {  	v37 =	vshll.u32 v3, $0x1  }
0x73: {  	v3 =	vand.u32 $0x7, v3;
	v4 =	vand.u32 $0xFFFFFFF0, v37  }
0x74: {  	v3 =	vor.u32 v3, v4  }
0x75: {  	v4 =	vperm.xlane v3, v0;
	_ =	sdelay $0x1  }
0x76: {  	v3 =	vperm.xlane v3, v2;
	v4 =	vadd.s32 v1, v4;
	_ =	sdelay $0x1  }
0x77: {  	v3 =	vadd.s32 v1, v3;
	_ =	sdelay $0x1  }
0x78: {  	s12 =	rddreg [dreg:$0xc]  }
0x79: {  	[tilespmem:s12], [sflag:$0x2] =	stream.indirect_vreg.gather [hbm4b:s4+s2], $0x80, v4, vm0, $0xb8;
	[tilespmem:$0x1C400] =	vst v63  }
0x7a: {  	s13 =	rddreg [dreg:$0xd]  }
0x7b: {  	[tilespmem:s13], [sflag:$0x2] =	stream.indirect_vreg.gather [hbm4b:s4+s2], $0x80, v3, vm0, $0xb8;
	[tilespmem:$0x1C400] =	vst v63  }
0x7c: {  	v3 =	vld [tilespmem:$0xA0];
	_ =	sdelay $0x4  }
0x7d: {  	v38 =	vshll.u32 v3, $0x1  }
0x7e: {  	v3 =	vand.u32 $0x7, v3;
	v4 =	vand.u32 $0xFFFFFFF0, v38  }
0x7f: {  	v3 =	vor.u32 v3, v4  }
0x80: {  	v4 =	vperm.xlane v3, v0;
	_ =	sdelay $0x1  }
0x81: {  	v3 =	vperm.xlane v3, v2;
	v4 =	vadd.s32 v1, v4;
	_ =	sdelay $0x1  }
0x82: {  	v3 =	vadd.s32 v1, v3;
	_ =	sdelay $0x1  }
0x83: {  	s12 =	rddreg [dreg:$0xe]  }
0x84: {  	[tilespmem:s12], [sflag:$0x2] =	stream.indirect_vreg.gather [hbm4b:s4+s2], $0x80, v4, vm0, $0xb8;
	[tilespmem:$0x1C400] =	vst v63  }
0x85: {  	s13 =	rddreg [dreg:$0xf]  }
0x86: {  	[tilespmem:s13], [sflag:$0x2] =	stream.indirect_vreg.gather [hbm4b:s4+s2], $0x80, v3, vm0, $0xb8;
	[tilespmem:$0x1C400] =	vst v63  }
0x87: {  	v3 =	vld [tilespmem:$0xB0];
	_ =	sdelay $0x4  }
0x88: {  	v39 =	vshll.u32 v3, $0x1  }
0x89: {  	v3 =	vand.u32 $0x7, v3;
	v4 =	vand.u32 $0xFFFFFFF0, v39  }
0x8a: {  	v3 =	vor.u32 v3, v4  }
0x8b: {  	v4 =	vperm.xlane v3, v0;
	_ =	sdelay $0x1  }
0x8c: {  	v3 =	vperm.xlane v3, v2;
	v4 =	vadd.s32 v1, v4;
	_ =	sdelay $0x1  }
0x8d: {  	v3 =	vadd.s32 v1, v3;
	_ =	sdelay $0x1  }
0x8e: {  	s12 =	rddreg [dreg:$0x10]  }
0x8f: {  	[tilespmem:s12], [sflag:$0x2] =	stream.indirect_vreg.gather [hbm4b:s4+s2], $0x80, v4, vm0, $0xb8;
	[tilespmem:$0x1C400] =	vst v63  }
0x90: {  	s13 =	rddreg [dreg:$0x11]  }
0x91: {  	[tilespmem:s13], [sflag:$0x2] =	stream.indirect_vreg.gather [hbm4b:s4+s2], $0x80, v3, vm0, $0xb8;
	[tilespmem:$0x1C400] =	vst v63  }
0x92: {  	v3 =	vld [tilespmem:$0x100];
	_ =	sdelay $0x4  }
0x93: {  	v40 =	vshll.u32 v3, $0x1  }
0x94: {  	v3 =	vand.u32 $0x7, v3;
	v4 =	vand.u32 $0xFFFFFFF0, v40  }
0x95: {  	v3 =	vor.u32 v3, v4  }
0x96: {  	v4 =	vperm.xlane v3, v0;
	_ =	sdelay $0x1  }
0x97: {  	v3 =	vperm.xlane v3, v2;
	v4 =	vadd.s32 v1, v4;
	_ =	sdelay $0x1  }
0x98: {  	v3 =	vadd.s32 v1, v3;
	_ =	sdelay $0x2  }
0x99: {  	[tilespmem:s6], [sflag:$0x3] =	stream.indirect_vreg.gather [hbm4b:s4+s2], $0x80, v4, vm0, $0xb8;
	[tilespmem:$0x1C400] =	vst v63  }
0x9a: {  	s13 =	rddreg [dreg:$0x12]  }
0x9b: {  	[tilespmem:s13], [sflag:$0x3] =	stream.indirect_vreg.gather [hbm4b:s4+s2], $0x80, v3, vm0, $0xb8;
	[tilespmem:$0x1C400] =	vst v63  }
0x9c: {  	v3 =	vld [tilespmem:$0x110];
	_ =	sdelay $0x4  }
0x9d: {  	v41 =	vshll.u32 v3, $0x1  }
0x9e: {  	v3 =	vand.u32 $0x7, v3;
	v4 =	vand.u32 $0xFFFFFFF0, v41  }
0x9f: {  	v3 =	vor.u32 v3, v4  }
0xa0: {  	v4 =	vperm.xlane v3, v0;
	_ =	sdelay $0x1  }
0xa1: {  	v3 =	vperm.xlane v3, v2;
	v4 =	vadd.s32 v1, v4;
	_ =	sdelay $0x1  }
0xa2: {  	v3 =	vadd.s32 v1, v3;
	_ =	sdelay $0x1  }
0xa3: {  	s12 =	rddreg [dreg:$0x13]  }
0xa4: {  	[tilespmem:s12], [sflag:$0x3] =	stream.indirect_vreg.gather [hbm4b:s4+s2], $0x80, v4, vm0, $0xb8;
	[tilespmem:$0x1C400] =	vst v63  }
0xa5: {  	s13 =	rddreg [dreg:$0x14]  }
0xa6: {  	[tilespmem:s13], [sflag:$0x3] =	stream.indirect_vreg.gather [hbm4b:s4+s2], $0x80, v3, vm0, $0xb8;
	[tilespmem:$0x1C400] =	vst v63  }
0xa7: {  	v3 =	vld [tilespmem:$0x120];
	_ =	sdelay $0x4  }
0xa8: {  	v42 =	vshll.u32 v3, $0x1  }
0xa9: {  	v3 =	vand.u32 $0x7, v3;
	v4 =	vand.u32 $0xFFFFFFF0, v42  }
0xaa: {  	v3 =	vor.u32 v3, v4  }
0xab: {  	v4 =	vperm.xlane v3, v0;
	_ =	sdelay $0x1  }
0xac: {  	v3 =	vperm.xlane v3, v2;
	v4 =	vadd.s32 v1, v4;
	_ =	sdelay $0x1  }
0xad: {  	v3 =	vadd.s32 v1, v3;
	_ =	sdelay $0x1  }
0xae: {  	s12 =	rddreg [dreg:$0x15]  }
0xaf: {  	[tilespmem:s12], [sflag:$0x3] =	stream.indirect_vreg.gather [hbm4b:s4+s2], $0x80, v4, vm0, $0xb8;
	[tilespmem:$0x1C400] =	vst v63  }
0xb0: {  	s13 =	rddreg [dreg:$0x16]  }
0xb1: {  	[tilespmem:s13], [sflag:$0x3] =	stream.indirect_vreg.gather [hbm4b:s4+s2], $0x80, v3, vm0, $0xb8;
	[tilespmem:$0x1C400] =	vst v63  }
0xb2: {  	v3 =	vld [tilespmem:$0x130];
	_ =	sdelay $0x4  }
0xb3: {  	v43 =	vshll.u32 v3, $0x1  }
0xb4: {  	v3 =	vand.u32 $0x7, v3;
	v4 =	vand.u32 $0xFFFFFFF0, v43  }
0xb5: {  	v3 =	vor.u32 v3, v4  }
0xb6: {  	v4 =	vperm.xlane v3, v0;
	_ =	sdelay $0x1  }
0xb7: {  	v3 =	vperm.xlane v3, v2;
	v4 =	vadd.s32 v1, v4;
	_ =	sdelay $0x1  }
0xb8: {  	v3 =	vadd.s32 v1, v3;
	_ =	sdelay $0x1  }
0xb9: {  	s12 =	rddreg [dreg:$0x17]  }
0xba: {  	[tilespmem:s12], [sflag:$0x3] =	stream.indirect_vreg.gather [hbm4b:s4+s2], $0x80, v4, vm0, $0xb8;
	[tilespmem:$0x1C400] =	vst v63  }
0xbb: {  	s13 =	rddreg [dreg:$0x18]  }
0xbc: {  	[tilespmem:s13], [sflag:$0x3] =	stream.indirect_vreg.gather [hbm4b:s4+s2], $0x80, v3, vm0, $0xb8;
	[tilespmem:$0x1C400] =	vst v63  }
0xbd: {  	v3 =	vld [tilespmem:$0x180];
	_ =	sdelay $0x4  }
0xbe: {  	v44 =	vshll.u32 v3, $0x1  }
0xbf: {  	v3 =	vand.u32 $0x7, v3;
	v4 =	vand.u32 $0xFFFFFFF0, v44  }
0xc0: {  	v3 =	vor.u32 v3, v4  }
0xc1: {  	v4 =	vperm.xlane v3, v0;
	_ =	sdelay $0x1  }
0xc2: {  	v3 =	vperm.xlane v3, v2;
	v4 =	vadd.s32 v1, v4;
	_ =	sdelay $0x1  }
0xc3: {  	v3 =	vadd.s32 v1, v3;
	_ =	sdelay $0x2  }
0xc4: {  	[tilespmem:s21], [sflag:$0x4] =	stream.indirect_vreg.gather [hbm4b:s4+s2], $0x80, v4, vm0, $0xb8;
	[tilespmem:$0x1C400] =	vst v63  }
0xc5: {  	s13 =	rddreg [dreg:$0x19]  }
0xc6: {  	[tilespmem:s13], [sflag:$0x4] =	stream.indirect_vreg.gather [hbm4b:s4+s2], $0x80, v3, vm0, $0xb8;
	[tilespmem:$0x1C400] =	vst v63  }
0xc7: {  	v3 =	vld [tilespmem:$0x190];
	_ =	sdelay $0x4  }
0xc8: {  	v45 =	vshll.u32 v3, $0x1  }
0xc9: {  	v3 =	vand.u32 $0x7, v3;
	v4 =	vand.u32 $0xFFFFFFF0, v45  }
0xca: {  	v3 =	vor.u32 v3, v4  }
0xcb: {  	v4 =	vperm.xlane v3, v0;
	_ =	sdelay $0x1  }
0xcc: {  	v3 =	vperm.xlane v3, v2;
	v4 =	vadd.s32 v1, v4;
	_ =	sdelay $0x1  }
0xcd: {  	v3 =	vadd.s32 v1, v3;
	_ =	sdelay $0x1  }
0xce: {  	s12 =	rddreg [dreg:$0x1a]  }
0xcf: {  	[tilespmem:s12], [sflag:$0x4] =	stream.indirect_vreg.gather [hbm4b:s4+s2], $0x80, v4, vm0, $0xb8;
	[tilespmem:$0x1C400] =	vst v63  }
0xd0: {  	s13 =	rddreg [dreg:$0x1b]  }
0xd1: {  	[tilespmem:s13], [sflag:$0x4] =	stream.indirect_vreg.gather [hbm4b:s4+s2], $0x80, v3, vm0, $0xb8;
	[tilespmem:$0x1C400] =	vst v63  }
0xd2: {  	v3 =	vld [tilespmem:$0x1A0];
	_ =	sdelay $0x4  }
0xd3: {  	v46 =	vshll.u32 v3, $0x1  }
0xd4: {  	v3 =	vand.u32 $0x7, v3;
	v4 =	vand.u32 $0xFFFFFFF0, v46  }
0xd5: {  	v3 =	vor.u32 v3, v4  }
0xd6: {  	v4 =	vperm.xlane v3, v0;
	_ =	sdelay $0x1  }
0xd7: {  	v3 =	vperm.xlane v3, v2;
	v4 =	vadd.s32 v1, v4;
	_ =	sdelay $0x1  }
0xd8: {  	v3 =	vadd.s32 v1, v3;
	_ =	sdelay $0x1  }
0xd9: {  	s12 =	rddreg [dreg:$0x1c]  }
0xda: {  	[tilespmem:s12], [sflag:$0x4] =	stream.indirect_vreg.gather [hbm4b:s4+s2], $0x80, v4, vm0, $0xb8;
	[tilespmem:$0x1C400] =	vst v63  }
0xdb: {  	s13 =	rddreg [dreg:$0x1d]  }
0xdc: {  	[tilespmem:s13], [sflag:$0x4] =	stream.indirect_vreg.gather [hbm4b:s4+s2], $0x80, v3, vm0, $0xb8;
	[tilespmem:$0x1C400] =	vst v63  }
0xdd: {  	v3 =	vld [tilespmem:$0x1B0];
	_ =	sdelay $0x4  }
0xde: {  	v47 =	vshll.u32 v3, $0x1  }
0xdf: {  	v3 =	vand.u32 $0x7, v3;
	v4 =	vand.u32 $0xFFFFFFF0, v47  }
0xe0: {  	v3 =	vor.u32 v3, v4  }
0xe1: {  	v4 =	vperm.xlane v3, v0;
	_ =	sdelay $0x1  }
0xe2: {  	v3 =	vperm.xlane v3, v2;
	v4 =	vadd.s32 v1, v4;
	_ =	sdelay $0x1  }
0xe3: {  	v3 =	vadd.s32 v1, v3;
	_ =	sdelay $0x1  }
0xe4: {  	s12 =	rddreg [dreg:$0x1e]  }
0xe5: {  	[tilespmem:s12], [sflag:$0x4] =	stream.indirect_vreg.gather [hbm4b:s4+s2], $0x80, v4, vm0, $0xb8;
	[tilespmem:$0x1C400] =	vst v63  }
0xe6: {  	s13 =	rddreg [dreg:$0x1f]  }
0xe7: {  	[tilespmem:s13], [sflag:$0x4] =	stream.indirect_vreg.gather [hbm4b:s4+s2], $0x80, v3, vm0, $0xb8;
	[tilespmem:$0x1C400] =	vst v63  }
0xe8: {  	v3 =	vld [tilespmem:$0x200];
	_ =	sdelay $0x4  }
0xe9: {  	v48 =	vshll.u32 v3, $0x1  }
0xea: {  	v3 =	vand.u32 $0x7, v3;
	v4 =	vand.u32 $0xFFFFFFF0, v48  }
0xeb: {  	v3 =	vor.u32 v3, v4  }
0xec: {  	v4 =	vperm.xlane v3, v0;
	_ =	sdelay $0x1  }
0xed: {  	v3 =	vperm.xlane v3, v2;
	v4 =	vadd.s32 v1, v4;
	_ =	sdelay $0x1  }
0xee: {  	v3 =	vadd.s32 v1, v3;
	_ =	sdelay $0x1  }
0xef: {  	s13 =	sld [smem:$0x7E9]  }
0xf0: {  	[tilespmem:s22], [sflag:$0x5] =	stream.indirect_vreg.gather [hbm4b:s4+s2], $0x80, v4, vm0, $0xb8;
	[tilespmem:$0x1C400] =	vst v63  }
0xf1: {  	_ = 	snop  }
0xf2: {  	[tilespmem:s13], [sflag:$0x5] =	stream.indirect_vreg.gather [hbm4b:s4+s2], $0x80, v3, vm0, $0xb8;
	[tilespmem:$0x1C400] =	vst v63  }
0xf3: {  	v3 =	vld [tilespmem:$0x210];
	_ =	sdelay $0x4  }
0xf4: {  	v49 =	vshll.u32 v3, $0x1  }
0xf5: {  	v3 =	vand.u32 $0x7, v3;
	v4 =	vand.u32 $0xFFFFFFF0, v49  }
0xf6: {  	v3 =	vor.u32 v3, v4  }
0xf7: {  	v4 =	vperm.xlane v3, v0;
	_ =	sdelay $0x1  }
0xf8: {  	v3 =	vperm.xlane v3, v2;
	v4 =	vadd.s32 v1, v4;
	_ =	sdelay $0x1  }
0xf9: {  	s12 =	sld [smem:$0x7EA];
	v3 =	vadd.s32 v1, v3;
	_ =	sdelay $0x1  }
0xfa: {  	s13 =	sld [smem:$0x7EB]  }
0xfb: {  	[tilespmem:s12], [sflag:$0x5] =	stream.indirect_vreg.gather [hbm4b:s4+s2], $0x80, v4, vm0, $0xb8;
	[tilespmem:$0x1C400] =	vst v63  }
0xfc: {  	_ = 	snop  }
0xfd: {  	[tilespmem:s13], [sflag:$0x5] =	stream.indirect_vreg.gather [hbm4b:s4+s2], $0x80, v3, vm0, $0xb8;
	[tilespmem:$0x1C400] =	vst v63  }
0xfe: {  	v3 =	vld [tilespmem:$0x220];
	_ =	sdelay $0x4  }
0xff: {  	v50 =	vshll.u32 v3, $0x1  }
0x100: {  	v3 =	vand.u32 $0x7, v3;
	v4 =	vand.u32 $0xFFFFFFF0, v50  }
0x101: {  	v3 =	vor.u32 v3, v4  }
0x102: {  	v4 =	vperm.xlane v3, v0;
	_ =	sdelay $0x1  }
0x103: {  	v3 =	vperm.xlane v3, v2;
	v4 =	vadd.s32 v1, v4;
	_ =	sdelay $0x1  }
0x104: {  	s12 =	sld [smem:$0x7EC];
	v3 =	vadd.s32 v1, v3;
	_ =	sdelay $0x1  }
0x105: {  	s13 =	sld [smem:$0x7ED]  }
0x106: {  	[tilespmem:s12], [sflag:$0x5] =	stream.indirect_vreg.gather [hbm4b:s4+s2], $0x80, v4, vm0, $0xb8;
	[tilespmem:$0x1C400] =	vst v63  }
0x107: {  	_ = 	snop  }
0x108: {  	[tilespmem:s13], [sflag:$0x5] =	stream.indirect_vreg.gather [hbm4b:s4+s2], $0x80, v3, vm0, $0xb8;
	[tilespmem:$0x1C400] =	vst v63  }
0x109: {  	v3 =	vld [tilespmem:$0x230];
	_ =	sdelay $0x4  }
0x10a: {  	v51 =	vshll.u32 v3, $0x1  }
0x10b: {  	v3 =	vand.u32 $0x7, v3;
	v4 =	vand.u32 $0xFFFFFFF0, v51  }
0x10c: {  	v3 =	vor.u32 v3, v4  }
0x10d: {  	v4 =	vperm.xlane v3, v0;
	_ =	sdelay $0x1  }
0x10e: {  	v3 =	vperm.xlane v3, v2;
	v4 =	vadd.s32 v1, v4;
	_ =	sdelay $0x1  }
0x10f: {  	s12 =	sld [smem:$0x7EE];
	v3 =	vadd.s32 v1, v3;
	_ =	sdelay $0x1  }
0x110: {  	s13 =	sld [smem:$0x7EF]  }
0x111: {  	[tilespmem:s12], [sflag:$0x5] =	stream.indirect_vreg.gather [hbm4b:s4+s2], $0x80, v4, vm0, $0xb8;
	[tilespmem:$0x1C400] =	vst v63  }
0x112: {  	_ = 	snop  }
0x113: {  	[tilespmem:s13], [sflag:$0x5] =	stream.indirect_vreg.gather [hbm4b:s4+s2], $0x80, v3, vm0, $0xb8;
	[tilespmem:$0x1C400] =	vst v63  }
0x114: {  	v3 =	vld [tilespmem:$0x280];
	_ =	sdelay $0x4  }
0x115: {  	v52 =	vshll.u32 v3, $0x1  }
0x116: {  	v3 =	vand.u32 $0x7, v3;
	v4 =	vand.u32 $0xFFFFFFF0, v52  }
0x117: {  	v3 =	vor.u32 v3, v4  }
0x118: {  	v4 =	vperm.xlane v3, v0;
	_ =	sdelay $0x1  }
0x119: {  	v3 =	vperm.xlane v3, v2;
	v4 =	vadd.s32 v1, v4;
	_ =	sdelay $0x1  }
0x11a: {  	v3 =	vadd.s32 v1, v3;
	_ =	sdelay $0x1  }
0x11b: {  	s13 =	sld [smem:$0x7F0]  }
0x11c: {  	[tilespmem:s23], [sflag:$0x6] =	stream.indirect_vreg.gather [hbm4b:s4+s2], $0x80, v4, vm0, $0xb8;
	[tilespmem:$0x1C400] =	vst v63  }
0x11d: {  	_ = 	snop  }
0x11e: {  	[tilespmem:s13], [sflag:$0x6] =	stream.indirect_vreg.gather [hbm4b:s4+s2], $0x80, v3, vm0, $0xb8;
	[tilespmem:$0x1C400] =	vst v63  }
0x11f: {  	v3 =	vld [tilespmem:$0x290];
	_ =	sdelay $0x4  }
0x120: {  	v53 =	vshll.u32 v3, $0x1  }
0x121: {  	v3 =	vand.u32 $0x7, v3;
	v4 =	vand.u32 $0xFFFFFFF0, v53  }
0x122: {  	v3 =	vor.u32 v3, v4  }
0x123: {  	v4 =	vperm.xlane v3, v0;
	_ =	sdelay $0x1  }
0x124: {  	v3 =	vperm.xlane v3, v2;
	v4 =	vadd.s32 v1, v4;
	_ =	sdelay $0x1  }
0x125: {  	s12 =	sld [smem:$0x7F1];
	v3 =	vadd.s32 v1, v3;
	_ =	sdelay $0x1  }
0x126: {  	s13 =	sld [smem:$0x7F2]  }
0x127: {  	[tilespmem:s12], [sflag:$0x6] =	stream.indirect_vreg.gather [hbm4b:s4+s2], $0x80, v4, vm0, $0xb8;
	[tilespmem:$0x1C400] =	vst v63  }
0x128: {  	_ = 	snop  }
0x129: {  	[tilespmem:s13], [sflag:$0x6] =	stream.indirect_vreg.gather [hbm4b:s4+s2], $0x80, v3, vm0, $0xb8;
	[tilespmem:$0x1C400] =	vst v63  }
0x12a: {  	v3 =	vld [tilespmem:$0x2A0];
	_ =	sdelay $0x4  }
0x12b: {  	v54 =	vshll.u32 v3, $0x1  }
0x12c: {  	v3 =	vand.u32 $0x7, v3;
	v4 =	vand.u32 $0xFFFFFFF0, v54  }
0x12d: {  	v3 =	vor.u32 v3, v4  }
0x12e: {  	v4 =	vperm.xlane v3, v0;
	_ =	sdelay $0x1  }
0x12f: {  	v3 =	vperm.xlane v3, v2;
	v4 =	vadd.s32 v1, v4;
	_ =	sdelay $0x1  }
0x130: {  	s12 =	sld [smem:$0x7F3];
	v3 =	vadd.s32 v1, v3;
	_ =	sdelay $0x1  }
0x131: {  	s13 =	sld [smem:$0x7F4]  }
0x132: {  	[tilespmem:s12], [sflag:$0x6] =	stream.indirect_vreg.gather [hbm4b:s4+s2], $0x80, v4, vm0, $0xb8;
	[tilespmem:$0x1C400] =	vst v63  }
0x133: {  	_ = 	snop  }
0x134: {  	[tilespmem:s13], [sflag:$0x6] =	stream.indirect_vreg.gather [hbm4b:s4+s2], $0x80, v3, vm0, $0xb8;
	[tilespmem:$0x1C400] =	vst v63  }
0x135: {  	v3 =	vld [tilespmem:$0x2B0];
	_ =	sdelay $0x4  }
0x136: {  	v55 =	vshll.u32 v3, $0x1  }
0x137: {  	v3 =	vand.u32 $0x7, v3;
	v4 =	vand.u32 $0xFFFFFFF0, v55  }
0x138: {  	v3 =	vor.u32 v3, v4  }
0x139: {  	v4 =	vperm.xlane v3, v0;
	_ =	sdelay $0x1  }
0x13a: {  	v3 =	vperm.xlane v3, v2;
	v4 =	vadd.s32 v1, v4;
	_ =	sdelay $0x1  }
0x13b: {  	s12 =	sld [smem:$0x7F5];
	v3 =	vadd.s32 v1, v3;
	_ =	sdelay $0x1  }
0x13c: {  	s13 =	sld [smem:$0x7F6]  }
0x13d: {  	[tilespmem:s12], [sflag:$0x6] =	stream.indirect_vreg.gather [hbm4b:s4+s2], $0x80, v4, vm0, $0xb8;
	[tilespmem:$0x1C400] =	vst v63  }
0x13e: {  	_ = 	snop  }
0x13f: {  	[tilespmem:s13], [sflag:$0x6] =	stream.indirect_vreg.gather [hbm4b:s4+s2], $0x80, v3, vm0, $0xb8;
	[tilespmem:$0x1C400] =	vst v63  }
0x140: {  	v3 =	vld [tilespmem:$0x300];
	_ =	sdelay $0x4  }
0x141: {  	v56 =	vshll.u32 v3, $0x1  }
0x142: {  	v3 =	vand.u32 $0x7, v3;
	v4 =	vand.u32 $0xFFFFFFF0, v56  }
0x143: {  	v3 =	vor.u32 v3, v4  }
0x144: {  	v4 =	vperm.xlane v3, v0;
	_ =	sdelay $0x1  }
0x145: {  	v3 =	vperm.xlane v3, v2;
	v4 =	vadd.s32 v1, v4;
	_ =	sdelay $0x1  }
0x146: {  	v3 =	vadd.s32 v1, v3;
	_ =	sdelay $0x1  }
0x147: {  	s13 =	sld [smem:$0x7F7]  }
0x148: {  	[tilespmem:s24], [sflag:$0x7] =	stream.indirect_vreg.gather [hbm4b:s4+s2], $0x80, v4, vm0, $0xb8;
	[tilespmem:$0x1C400] =	vst v63  }
0x149: {  	_ = 	snop  }
0x14a: {  	[tilespmem:s13], [sflag:$0x7] =	stream.indirect_vreg.gather [hbm4b:s4+s2], $0x80, v3, vm0, $0xb8;
	[tilespmem:$0x1C400] =	vst v63  }
0x14b: {  	v3 =	vld [tilespmem:$0x310];
	_ =	sdelay $0x4  }
0x14c: {  	v57 =	vshll.u32 v3, $0x1  }
0x14d: {  	v3 =	vand.u32 $0x7, v3;
	v4 =	vand.u32 $0xFFFFFFF0, v57  }
0x14e: {  	v3 =	vor.u32 v3, v4  }
0x14f: {  	v4 =	vperm.xlane v3, v0;
	_ =	sdelay $0x1  }
0x150: {  	v3 =	vperm.xlane v3, v2;
	v4 =	vadd.s32 v1, v4;
	_ =	sdelay $0x1  }
0x151: {  	s12 =	sld [smem:$0x7F8];
	v3 =	vadd.s32 v1, v3;
	_ =	sdelay $0x1  }
0x152: {  	s13 =	sld [smem:$0x7F9]  }
0x153: {  	[tilespmem:s12], [sflag:$0x7] =	stream.indirect_vreg.gather [hbm4b:s4+s2], $0x80, v4, vm0, $0xb8;
	[tilespmem:$0x1C400] =	vst v63  }
0x154: {  	_ = 	snop  }
0x155: {  	[tilespmem:s13], [sflag:$0x7] =	stream.indirect_vreg.gather [hbm4b:s4+s2], $0x80, v3, vm0, $0xb8;
	[tilespmem:$0x1C400] =	vst v63  }
0x156: {  	v3 =	vld [tilespmem:$0x320];
	_ =	sdelay $0x4  }
0x157: {  	v58 =	vshll.u32 v3, $0x1  }
0x158: {  	v3 =	vand.u32 $0x7, v3;
	v4 =	vand.u32 $0xFFFFFFF0, v58  }
0x159: {  	v3 =	vor.u32 v3, v4  }
0x15a: {  	v4 =	vperm.xlane v3, v0;
	_ =	sdelay $0x1  }
0x15b: {  	v3 =	vperm.xlane v3, v2;
	v4 =	vadd.s32 v1, v4;
	_ =	sdelay $0x1  }
0x15c: {  	s12 =	sld [smem:$0x7FA];
	v3 =	vadd.s32 v1, v3;
	_ =	sdelay $0x1  }
0x15d: {  	s13 =	sld [smem:$0x7FB]  }
0x15e: {  	[tilespmem:s12], [sflag:$0x7] =	stream.indirect_vreg.gather [hbm4b:s4+s2], $0x80, v4, vm0, $0xb8;
	[tilespmem:$0x1C400] =	vst v63  }
0x15f: {  	_ = 	snop  }
0x160: {  	[tilespmem:s13], [sflag:$0x7] =	stream.indirect_vreg.gather [hbm4b:s4+s2], $0x80, v3, vm0, $0xb8;
	[tilespmem:$0x1C400] =	vst v63  }
0x161: {  	v3 =	vld [tilespmem:$0x330];
	_ =	sdelay $0x4  }
0x162: {  	v59 =	vshll.u32 v3, $0x1  }
0x163: {  	v3 =	vand.u32 $0x7, v3;
	v4 =	vand.u32 $0xFFFFFFF0, v59  }
0x164: {  	v3 =	vor.u32 v3, v4  }
0x165: {  	v4 =	vperm.xlane v3, v0;
	_ =	sdelay $0x1  }
0x166: {  	v3 =	vperm.xlane v3, v2;
	v4 =	vadd.s32 v1, v4;
	_ =	sdelay $0x1  }
0x167: {  	s12 =	sld [smem:$0x7FC];
	v3 =	vadd.s32 v1, v3;
	_ =	sdelay $0x1  }
0x168: {  	s13 =	sld [smem:$0x7FD]  }
0x169: {  	[tilespmem:s12], [sflag:$0x7] =	stream.indirect_vreg.gather [hbm4b:s4+s2], $0x80, v4, vm0, $0xb8;
	[tilespmem:$0x1C400] =	vst v63  }
0x16a: {  	_ = 	snop  }
0x16b: {  	[tilespmem:s13], [sflag:$0x7] =	stream.indirect_vreg.gather [hbm4b:s4+s2], $0x80, v3, vm0, $0xb8;
	[tilespmem:$0x1C400] =	vst v63  }
0x16c: {  	s13 =	simm.s32 $0x1  }
0x16d: {  	_ =	swait.ge [sflag:s13], $0x4000  }
0x16e: {  	[sflag:s13] =	ssyncset.done $0x0  }
0x16f: {  	[sflag:s13] =	ssyncadd.s32 $0xFFFFC000;
	s13 =	sld [smem:$0x7E8];
	_ =	sdelay $0x2  }
0x170: {  	[hbm4b:s13+s2] =	stream.linear.scatter [tilespmem:s7], [sflag:$0x9], $0x4000, $0x38;
	[tilespmem:$0x1C400] =	vst v63  }
0x171: {  	s13 =	simm.s32 $0x9  }
0x172: {  	_ =	swait.ge [sflag:s13], $0x4000  }
0x173: {  	[sflag:s13] =	ssyncset.done $0x0  }
0x174: {  	[sflag:s13] =	ssyncadd.s32 $0xFFFFC000  }
0x175: {  	v3 =	vld [tilespmem:$0x380];
	_ =	sdelay $0x4  }
0x176: {  	v60 =	vshll.u32 v3, $0x1  }
0x177: {  	v3 =	vand.u32 $0x7, v3;
	v4 =	vand.u32 $0xFFFFFFF0, v60  }
0x178: {  	v3 =	vor.u32 v3, v4  }
0x179: {  	v4 =	vperm.xlane v3, v0;
	_ =	sdelay $0x1  }
0x17a: {  	v3 =	vperm.xlane v3, v2;
	v4 =	vadd.s32 v1, v4;
	_ =	sdelay $0x1  }
0x17b: {  	v3 =	vadd.s32 v1, v3;
	_ =	sdelay $0x2  }
0x17c: {  	[tilespmem:s7], [sflag:$0x8] =	stream.indirect_vreg.gather [hbm4b:s4+s2], $0x80, v4, vm0, $0xb8;
	[tilespmem:$0x1C400] =	vst v63  }
0x17d: {  	_ = 	snop  }
0x17e: {  	[tilespmem:s14], [sflag:$0x8] =	stream.indirect_vreg.gather [hbm4b:s4+s2], $0x80, v3, vm0, $0xb8;
	[tilespmem:$0x1C400] =	vst v63  }
0x17f: {  	v3 =	vld [tilespmem:$0x390];
	_ =	sdelay $0x4  }
0x180: {  	v61 =	vshll.u32 v3, $0x1  }
0x181: {  	v3 =	vand.u32 $0x7, v3;
	v4 =	vand.u32 $0xFFFFFFF0, v61  }
0x182: {  	v3 =	vor.u32 v3, v4  }
0x183: {  	v4 =	vperm.xlane v3, v0;
	_ =	sdelay $0x1  }
0x184: {  	v3 =	vperm.xlane v3, v2;
	v4 =	vadd.s32 v1, v4;
	_ =	sdelay $0x1  }
0x185: {  	v3 =	vadd.s32 v1, v3;
	_ =	sdelay $0x2  }
0x186: {  	[tilespmem:s15], [sflag:$0x8] =	stream.indirect_vreg.gather [hbm4b:s4+s2], $0x80, v4, vm0, $0xb8;
	[tilespmem:$0x1C400] =	vst v63  }
0x187: {  	_ = 	snop  }
0x188: {  	[tilespmem:s16], [sflag:$0x8] =	stream.indirect_vreg.gather [hbm4b:s4+s2], $0x80, v3, vm0, $0xb8;
	[tilespmem:$0x1C400] =	vst v63  }
0x189: {  	v3 =	vld [tilespmem:$0x3A0];
	_ =	sdelay $0x4  }
0x18a: {  	v62 =	vshll.u32 v3, $0x1  }
0x18b: {  	v3 =	vand.u32 $0x7, v3;
	v4 =	vand.u32 $0xFFFFFFF0, v62  }
0x18c: {  	v3 =	vor.u32 v3, v4  }
0x18d: {  	v4 =	vperm.xlane v3, v0;
	_ =	sdelay $0x1  }
0x18e: {  	v3 =	vperm.xlane v3, v2;
	v4 =	vadd.s32 v1, v4;
	_ =	sdelay $0x1  }
0x18f: {  	v3 =	vadd.s32 v1, v3;
	_ =	sdelay $0x2  }
0x190: {  	[tilespmem:s17], [sflag:$0x8] =	stream.indirect_vreg.gather [hbm4b:s4+s2], $0x80, v4, vm0, $0xb8;
	[tilespmem:$0x1C400] =	vst v63  }
0x191: {  	_ = 	snop  }
0x192: {  	[tilespmem:s18], [sflag:$0x8] =	stream.indirect_vreg.gather [hbm4b:s4+s2], $0x80, v3, vm0, $0xb8;
	[tilespmem:$0x1C400] =	vst v63  }
0x193: {  	v3 =	vld [tilespmem:$0x3B0];
	_ =	sdelay $0x4  }
0x194: {  	v63 =	vshll.u32 v3, $0x1  }
0x195: {  	v3 =	vand.u32 $0x7, v3;
	v4 =	vand.u32 $0xFFFFFFF0, v63  }
0x196: {  	v3 =	vor.u32 v3, v4  }
0x197: {  	v4 =	vperm.xlane v3, v0;
	_ =	sdelay $0x1  }
0x198: {  	v3 =	vperm.xlane v3, v2;
	v4 =	vadd.s32 v1, v4;
	_ =	sdelay $0x1  }
0x199: {  	v3 =	vadd.s32 v1, v3;
	_ =	sdelay $0x2  }
0x19a: {  	[tilespmem:s19], [sflag:$0x8] =	stream.indirect_vreg.gather [hbm4b:s4+s2], $0x80, v4, vm0, $0xb8;
	[tilespmem:$0x1C400] =	vst v63  }
0x19b: {  	s13 =	simm.s32 $0x2  }
0x19c: {  	[tilespmem:s20], [sflag:$0x8] =	stream.indirect_vreg.gather [hbm4b:s4+s2], $0x80, v3, vm0, $0xb8;
	[tilespmem:$0x1C400] =	vst v63  }
0x19d: {  	_ =	swait.ge [sflag:s13], $0x4000  }
0x19e: {  	[sflag:s13] =	ssyncset.done $0x0  }
0x19f: {  	s12 =	rddreg [dreg:$0x4];
	[sflag:s13] =	ssyncadd.s32 $0xFFFFC000  }
0x1a0: {  	[hbm4b:s12+s2] =	stream.linear.scatter [tilespmem:s3], [sflag:$0xA], $0x4000, $0x38;
	[tilespmem:$0x1C400] =	vst v63  }
0x1a1: {  	s12 =	simm.s32 $0x3  }
0x1a2: {  	_ =	swait.ge [sflag:s12], $0x4000  }
0x1a3: {  	[sflag:s12] =	ssyncset.done $0x0  }
0x1a4: {  	s13 =	rddreg [dreg:$0x5];
	[sflag:s12] =	ssyncadd.s32 $0xFFFFC000  }
0x1a5: {  	[hbm4b:s13+s2] =	stream.linear.scatter [tilespmem:s6], [sflag:$0xB], $0x4000, $0x38;
	[tilespmem:$0x1C400] =	vst v63  }
0x1a6: {  	_ =	swait.ge [sflag:s25], $0x4000  }
0x1a7: {  	[sflag:s25] =	ssyncset.done $0x0  }
0x1a8: {  	s13 =	rddreg [dreg:$0x6];
	[sflag:s25] =	ssyncadd.s32 $0xFFFFC000  }
0x1a9: {  	[hbm4b:s13+s2] =	stream.linear.scatter [tilespmem:s21], [sflag:$0xC], $0x4000, $0x38;
	[tilespmem:$0x1C400] =	vst v63  }
0x1aa: {  	_ =	swait.ge [sflag:s26], $0x4000  }
0x1ab: {  	[sflag:s26] =	ssyncset.done $0x0  }
0x1ac: {  	s3 =	rddreg [dreg:$0x7];
	[sflag:s26] =	ssyncadd.s32 $0xFFFFC000  }
0x1ad: {  	[hbm4b:s3+s2] =	stream.linear.scatter [tilespmem:s22], [sflag:$0xD], $0x4000, $0x38;
	[tilespmem:$0x1C400] =	vst v63  }
0x1ae: {  	_ =	swait.ge [sflag:s28], $0x4000  }
0x1af: {  	[sflag:s28] =	ssyncset.done $0x0  }
0x1b0: {  	s13 =	rddreg [dreg:$0x8];
	[sflag:s28] =	ssyncadd.s32 $0xFFFFC000  }
0x1b1: {  	[hbm4b:s13+s2] =	stream.linear.scatter [tilespmem:s23], [sflag:$0xE], $0x4000, $0x38;
	[tilespmem:$0x1C400] =	vst v63  }
0x1b2: {  	_ =	swait.ge [sflag:s29], $0x4000  }
0x1b3: {  	[sflag:s29] =	ssyncset.done $0x0  }
0x1b4: {  	s3 =	rddreg [dreg:$0x9];
	[sflag:s29] =	ssyncadd.s32 $0xFFFFC000  }
0x1b5: {  	[hbm4b:s3+s2] =	stream.linear.scatter [tilespmem:s24], [sflag:$0xF], $0x4000, $0x38;
	[tilespmem:$0x1C400] =	vst v63  }
0x1b6: {  	_ =	swait.ge [sflag:s30], $0x4000  }
0x1b7: {  	[sflag:s30] =	ssyncset.done $0x0  }
0x1b8: {  	s13 =	rddreg [dreg:$0xa];
	[sflag:s30] =	ssyncadd.s32 $0xFFFFC000  }
0x1b9: {  	[hbm4b:s13+s2] =	stream.linear.scatter [tilespmem:s7], [sflag:$0x10], $0x4000, $0x38;
	[tilespmem:$0x1C400] =	vst v63  }
0x1ba: {  	_ =	swait.ge [sflag:s31], $0x4000  }
0x1bb: {  	[sflag:s31] =	ssyncset.done $0x0  }
0x1bc: {  	[sflag:s31] =	ssyncadd.s32 $0xFFFFC000  }
0x1bd: {  	_ =	swait.ge [sflag:s1], $0x4000  }
0x1be: {  	[sflag:s1] =	ssyncset.done $0x0  }
0x1bf: {  	[sflag:s1] =	ssyncadd.s32 $0xFFFFC000  }
0x1c0: {  	_ =	swait.ge [sflag:s0], $0x4000  }
0x1c1: {  	[sflag:s0] =	ssyncset.done $0x0  }
0x1c2: {  	[sflag:s0] =	ssyncadd.s32 $0xFFFFC000  }
0x1c3: {  	_ =	swait.ge [sflag:s8], $0x4000  }
0x1c4: {  	[sflag:s8] =	ssyncset.done $0x0  }
0x1c5: {  	[sflag:s8] =	ssyncadd.s32 $0xFFFFC000  }
0x1c6: {  	_ =	swait.ge [sflag:s9], $0x4000  }
0x1c7: {  	[sflag:s9] =	ssyncset.done $0x0  }
0x1c8: {  	[sflag:s9] =	ssyncadd.s32 $0xFFFFC000  }
0x1c9: {  	p0 =	sne.s32 s5, $0x1;
	_ =	swait.ge [sflag:s10], $0x4000  }
.Ltmp0:
0x1ca: {  	[sflag:s10] =	ssyncset.done $0x0;
	(pc) =	sbr.rel @p0 .LBB2_1-.Ltmp0, $4  }
0x1cb: {  	[sflag:s10] =	ssyncadd.s32 $0xFFFFC000  }
0x1cc: {  	_ =	swait.ge [sflag:s11], $0x4000  }
0x1cd: {  	[sflag:s11] =	ssyncset.done $0x0  }
0x1ce: {  	s5 =	sadd.s32 $0xFFFFFFFF, s5;
	[sflag:s11] =	ssyncadd.s32 $0xFFFFC000  }
0x1cf: {  	_ =	sfence.sel $0x180000  }
0x1d0: {  	[bflag:$0x0] =	sbarrier.arrive $0xFFFF  }
0x1d1: {  	_ =	strace $0x90000047  }
0x1d2: {  	s0 =	stileid.u32;
	[bflag:$0x2] =	sbarrier.arrive $0xFFFF  }
0x1d3: {  	p0 =	sne.s32 s0, $0x0;
	s0 =	rddreg [dreg:$0x2]  }
0x1d4: {  	s0 =	sadd.s32 @!p0 $0x100000, s0  }
0x1d5: {  	[sflag:s0] =	ssyncadd.tile.s32 @!p0 $0x1;
	_ =	shalt  }
.Lfunc_end2:
_tile_overlayer_lowered:
.L_overlay_start_2:
0x1d6: {  	(tag) =	ssettag $0x2  }
0x1d7: {  	s0 =	rddreg [dreg:$0x0];
	s2 =	stileid.u32  }
0x1d8: {  	s1 =	rddreg [dreg:$0x1];
	p0 =	sne.s32 s2, $0x0  }
0x1d9: {  	s3 =	rddreg [dreg:$0x2];
	[bflag:$0x3] =	sbarrier.arrive $0xFFFF;
	s2 =	simm.s32 @!p0 $0x1C11  }
0x1da: {  	[timem:s3], [sflag:s2] =	dma.local @!p0 [hbm:s0], s1  }
0x1db: {  	s0 =	simm.s32 @!p0 $0x11  }
0x1dc: {  	_ =	swait.ge @!p0 [sflag:s0], s1  }
0x1dd: {  	s1 =	ssub.s32 @!p0 $0x0, s1;
	[sflag:s0] =	ssyncset.done @!p0 $0x0  }
0x1de: {  	[sflag:s0] =	ssyncadd.s32 @!p0 s1  }
0x1df: {  	[bflag:$0x3] =	sbarrier.arrive $0xFFFF  }
0x1e0: {  	_ =	shalt  }

</sc_bundles>
